<compile_context>
chip_gen: v7x
topology: tpu7x:2x2x1
jax: 0.10.2.dev20260603
libtpu: 0.0.44.dev20260713+nightly
codegen_flags: <defaults>
</compile_context>

<pallas_src>
import jax
import jax.numpy as jnp
from jax import lax
from jax.experimental import pallas as pl
from jax.experimental.pallas import tpu as pltpu
from jax.experimental.pallas import tpu_sc as plsc

N_NODES = 10000
N_EDGES = 320000
DIM = 128

NC = 2
NS = 16
NW = NC * NS
CHUNK = 128
NCHUNK = 80
EPAD = NW * NCHUNK * CHUNK - N_EDGES
NPAD = 10240
RPT = NPAD // NS


def _matmul_body(x_ref, wfc_ref, wa_ref, z_ref, st_ref):
    xb = x_ref[...]
    zb = lax.dot_general(xb, wfc_ref[...], (((1,), (1,)), ((), ())),
                         preferred_element_type=jnp.float32)
    z_ref[...] = zb
    st_ref[...] = lax.dot_general(wa_ref[...], zb, (((1,), (1,)), ((), ())),
                                  preferred_element_type=jnp.float32)


def _combine_body(acc_ref, den_ref, out_ref):
    a = acc_ref[0, :N_NODES] + acc_ref[1, :N_NODES]
    d = den_ref[0, :N_NODES] + den_ref[1, :N_NODES]
    d = jnp.where(d == 0.0, 1.0, d)
    out_ref[...] = a / d[:, None]


def _sc_body(st_hbm, src_hbm, dst_hbm, z_hbm, acc_out, den_out,
             src_v, dst_v, rows_v, w_a, w_b, sch_v, tch_v,
             s_sp, t_sp, acc_sp, den_sp, sem_sa, sem_sb):
    c = lax.axis_index("c")
    s = lax.axis_index("s")
    wid = c * NS + s

    zero16 = jnp.zeros((16,), jnp.float32)

    def _zrow(r, carry):
        for q in range(DIM // 16):
            rows_v[r, pl.ds(q * 16, 16)] = zero16
        return carry
    lax.fori_loop(0, CHUNK, _zrow, 0)

    for i in range(RPT // CHUNK):
        pltpu.sync_copy(rows_v, acc_sp.at[pl.ds(s * RPT + i * CHUNK, CHUNK)])
    for i in range(RPT // CHUNK):
        pltpu.sync_copy(rows_v.at[0], den_sp.at[pl.ds(s * RPT + i * CHUNK, CHUNK)])

    @pl.when(s == 0)
    def _stage():
        pltpu.sync_copy(st_hbm.at[0], s_sp)
        pltpu.sync_copy(st_hbm.at[1], t_sp)
    pltpu.sync_copy(src_hbm.at[wid], src_v)
    pltpu.sync_copy(dst_hbm.at[wid], dst_v)
    for q in range((CHUNK + 16) // 16):
        w_a[pl.ds(q * 16, 16)] = zero16
        w_b[pl.ds(q * 16, 16)] = zero16

    plsc.subcore_barrier()

    def issue_s(w, de, sem):
        a = pltpu.async_copy(rows_v, acc_sp.at[de], sem, add=True)
        d = pltpu.async_copy(w.at[pl.ds(0, CHUNK)], den_sp.at[de], sem, add=True)
        return a, d

    def wait_s(w, de, sem):
        pltpu.make_async_copy(rows_v, acc_sp.at[de], sem).wait()
        pltpu.make_async_copy(w.at[pl.ds(0, CHUNK)], den_sp.at[de], sem).wait()

    def front(j, w):
        pltpu.sync_copy(s_sp.at[src_v.at[j]], sch_v)
        pltpu.sync_copy(t_sp.at[dst_v.at[j]], tch_v)
        for k in range(CHUNK // 16):
            e = sch_v[pl.ds(k * 16, 16)] + tch_v[pl.ds(k * 16, 16)]
            e = jnp.where(e >= 0.0, e, 0.01 * e)
            w[pl.ds(k * 16, 16)] = jnp.exp(e)

    def back(j, w, sem):
        pltpu.sync_copy(z_hbm.at[src_v.at[j]], rows_v)

        @plsc.parallel_loop(0, CHUNK, unroll=8)
        def _srow(b):
            wb = w[pl.ds(b, 16)][0]
            for q in range(DIM // 16):
                rows_v[b, pl.ds(q * 16, 16)] = rows_v[b, pl.ds(q * 16, 16)] * wb

        return issue_s(w, dst_v.at[j], sem)

    issue_s(w_b, dst_v.at[0], sem_sb)

    def _pair(k, carry):
        ja = 2 * k
        jm_b = jnp.maximum(ja - 1, 0)
        front(ja, w_a)
        wait_s(w_b, dst_v.at[jm_b], sem_sb)
        sa, da = back(ja, w_a, sem_sa)
        front(ja + 1, w_b)
        sa.wait()
        da.wait()
        issue_b = back(ja + 1, w_b, sem_sb)
        del issue_b
        return carry
    lax.fori_loop(0, NCHUNK // 2, _pair, 0)

    wait_s(w_b, dst_v.at[NCHUNK - 1], sem_sb)

    plsc.subcore_barrier()

    pltpu.sync_copy(acc_sp.at[pl.ds(s * RPT, RPT)],
                    acc_out.at[c, pl.ds(s * RPT, RPT)])
    pltpu.sync_copy(den_sp.at[pl.ds(s * RPT, RPT)],
                    den_out.at[pl.ds(c * NPAD + s * RPT, RPT)])


@jax.jit
def kernel(x, edge_index, W_fc, W_attn):
    x = x.astype(jnp.float32)
    W_fc = W_fc.astype(jnp.float32)
    W_attn = W_attn.astype(jnp.float32)
    wa = jnp.zeros((8, DIM), jnp.float32)
    wa = wa.at[0].set(W_attn[0, :DIM]).at[1].set(W_attn[0, DIM:])

    pad_src = (jnp.arange(EPAD, dtype=jnp.int32) * 7) % N_NODES
    pad_dst = N_NODES + (jnp.arange(EPAD, dtype=jnp.int32) % (NPAD - N_NODES))
    src = jnp.concatenate([edge_index[0].astype(jnp.int32), pad_src])
    dst = jnp.concatenate([edge_index[1].astype(jnp.int32), pad_dst])
    src = src.reshape(NW, NCHUNK, CHUNK)
    dst = dst.reshape(NW, NCHUNK, CHUNK)

    z, st = pl.pallas_call(
        _matmul_body,
        out_shape=[
            jax.ShapeDtypeStruct((N_NODES, DIM), jnp.float32),
            jax.ShapeDtypeStruct((8, N_NODES), jnp.float32),
        ],
    )(x, W_fc, wa)

    sc = pl.kernel(
        _sc_body,
        out_type=[
            jax.ShapeDtypeStruct((NC, NPAD, DIM), jnp.float32),
            jax.ShapeDtypeStruct((NC * NPAD,), jnp.float32),
        ],
        mesh=plsc.VectorSubcoreMesh(core_axis_name="c", subcore_axis_name="s"),
        compiler_params=pltpu.CompilerParams(needs_layout_passes=False),
        scratch_types=[
            pltpu.VMEM((NCHUNK, CHUNK), jnp.int32),
            pltpu.VMEM((NCHUNK, CHUNK), jnp.int32),
            pltpu.VMEM((CHUNK, DIM), jnp.float32),
            pltpu.VMEM((CHUNK + 16,), jnp.float32),
            pltpu.VMEM((CHUNK + 16,), jnp.float32),
            pltpu.VMEM((CHUNK,), jnp.float32),
            pltpu.VMEM((CHUNK,), jnp.float32),
            pltpu.VMEM_SHARED((N_NODES,), jnp.float32),
            pltpu.VMEM_SHARED((N_NODES,), jnp.float32),
            pltpu.VMEM_SHARED((NPAD, DIM), jnp.float32),
            pltpu.VMEM_SHARED((NPAD,), jnp.float32),
            pltpu.SemaphoreType.DMA,
            pltpu.SemaphoreType.DMA,
        ],
    )
    acc, den = sc(st, src, dst, z)

    den = den.reshape(NC, NPAD)

    h = pl.pallas_call(
        _combine_body,
        out_shape=jax.ShapeDtypeStruct((N_NODES, DIM), jnp.float32),
    )(acc, den)
    return h

# --- scband reference (transcript-rebuilt; emitter-appended) ---
"""Pipeline reference for scband-gatlayer-58007828300548 (READ-ONLY COPY).

The authoritative reference and input builder live on the scoring server;
editing this copy changes nothing except your own understanding.
"""

import jax, jax.numpy as jnp
import numpy as np

N_NODES = 10000
N_EDGES = 320000
IN_DIM = 128
OUT_DIM = 128


def setup_inputs(seed: int = 0) -> dict:
    key = jax.random.key(seed)
    k1, k2, k3, k4 = jax.random.split(key, 4)
    x = jax.random.normal(k1, (N_NODES, IN_DIM), dtype=jnp.float32)
    edge_index = jax.random.randint(k2, (2, N_EDGES), 0, N_NODES, dtype=jnp.int64)
    # Learned parameters: fc (Linear(in_dim, out_dim, bias=False)) and
    # attn_fc (Linear(2*out_dim, 1, bias=False)), stored torch-style as [out, in].
    W_fc = jax.random.normal(k3, (OUT_DIM, IN_DIM), dtype=jnp.float32) * (1.0 / np.sqrt(IN_DIM))
    W_attn = jax.random.normal(k4, (1, 2 * OUT_DIM), dtype=jnp.float32) * (1.0 / np.sqrt(2 * OUT_DIM))
    return {"x": x, "edge_index": edge_index, "W_fc": W_fc, "W_attn": W_attn}


def reference(x, edge_index, W_fc, W_attn):
    # z = fc(h)
    z = x @ W_fc.T  # [N, out_dim]
    src = edge_index[0]
    dst = edge_index[1]
    z_src = jnp.take(z, src, axis=0)  # gather: message source features
    z_dst = jnp.take(z, dst, axis=0)
    # edge_attention: e = leaky_relu(attn_fc(cat([z_src, z_dst])))
    z2 = jnp.concatenate([z_src, z_dst], axis=1)  # [E, 2*out_dim]
    e = z2 @ W_attn.T  # [E, 1]
    e = jax.nn.leaky_relu(e, negative_slope=0.01)
    e = e[:, 0]  # [E]
    N = x.shape[0]
    # reduce_func: softmax over incoming edges per destination node (segment softmax)
    e_max = jax.ops.segment_max(e, dst, num_segments=N)  # [N]
    e_max = jnp.where(jnp.isfinite(e_max), e_max, 0.0)  # empty segments -> 0
    e_exp = jnp.exp(e - jnp.take(e_max, dst))  # [E]
    denom = jax.ops.segment_sum(e_exp, dst, num_segments=N)  # [N]
    denom_d = jnp.take(denom, dst)
    alpha = e_exp / jnp.where(denom_d == 0.0, 1.0, denom_d)  # [E]
    # h = sum(alpha * z_src) per destination node (scatter-add)
    h_out = jax.ops.segment_sum(alpha[:, None] * z_src, dst, num_segments=N)  # [N, out_dim]
    return h_out

if __name__ == "__main__":
    import jax
    _d = setup_inputs()
    print(jax.jit(kernel)(*tuple(_d.values())))

</pallas_src>

<mosaic_0001>
#map = affine_map<(d0, d1) -> (0, 0)>
#map1 = affine_map<(d0, d1) -> (0, 0, 0)>
#map2 = affine_map<(d0, d1) -> (0)>
module attributes {stable_mosaic.version = 14 : i64} {
  func.func @_sc_body(%arg0: i32, %arg1: i32, %arg2: memref<8x10000xf32, #tpu.memory_space<hbm>>, %arg3: memref<32x80x128xi32, #tpu.memory_space<hbm>>, %arg4: memref<32x80x128xi32, #tpu.memory_space<hbm>>, %arg5: memref<10000x128xf32, #tpu.memory_space<hbm>>, %arg6: memref<2x10240x128xf32, #tpu.memory_space<hbm>>, %arg7: memref<20480xf32, #tpu.memory_space<hbm>>, %arg8: memref<80x128xi32, #tpu.memory_space<vmem>>, %arg9: memref<80x128xi32, #tpu.memory_space<vmem>>, %arg10: memref<128x128xf32, #tpu.memory_space<vmem>>, %arg11: memref<144xf32, #tpu.memory_space<vmem>>, %arg12: memref<144xf32, #tpu.memory_space<vmem>>, %arg13: memref<128xf32, #tpu.memory_space<vmem>>, %arg14: memref<128xf32, #tpu.memory_space<vmem>>, %arg15: memref<10000xf32, #tpu.memory_space<vmem_shared>>, %arg16: memref<10000xf32, #tpu.memory_space<vmem_shared>>, %arg17: memref<10240x128xf32, #tpu.memory_space<vmem_shared>>, %arg18: memref<10240xf32, #tpu.memory_space<vmem_shared>>, %arg19: memref<!tpu.dma_semaphore, #tpu.memory_space<semaphore_mem>>, %arg20: memref<!tpu.dma_semaphore, #tpu.memory_space<semaphore_mem>>) attributes {dimension_semantics = [#tpu.dimension_semantics<core_parallel>, #tpu.dimension_semantics<subcore_parallel>], iteration_bounds = array<i64: 2, 16>, scalar_prefetch = 0 : i64, scratch_operands = 13 : i64, tpu.core_type = #tpu.core_type<sc_vector_subcore>, window_params = [{transform_indices = #map}, {transform_indices = #map1}, {transform_indices = #map1}, {transform_indices = #map}, {transform_indices = #map1}, {transform_indices = #map2}]} {
    %mul3A = arith.constant 16 : i32
    %mul3A_0 = arith.muli %arg0, %mul3A : i32
    %add3A = arith.addi %mul3A_0, %arg1 : i32
    %broadcast_in_dim3A = arith.constant 0.000000e+00 : f32
    %broadcast_in_dim3A_1 = vector.broadcast %broadcast_in_dim3A : f32 to vector<16xf32>
    %scan3A = arith.constant 0 : i32
    %scan3A_2 = arith.constant 0 : i32
    %scan3A_3 = arith.constant 128 : i32
    %scan3A_4 = arith.addi %scan3A_2, %scan3A_3 : i32
    %scan3A_5 = arith.constant 1 : i32
    scf.for %scan3A_134 = %scan3A_2 to %scan3A_4 step %scan3A_5  : i32 {
      %swap3A_135 = arith.index_cast %scan3A_134 : i32 to index
      %swap3A_136 = arith.constant 0 : index
      %swap3A_137 = tpu.vector_load %arg10[%swap3A_135, %swap3A_136] {strides = array<i32>} : memref<128x128xf32, #tpu.memory_space<vmem>>, vector<16xf32>,
      tpu.vector_store %arg10[%swap3A_135, %swap3A_136], %broadcast_in_dim3A_1 {strides = array<i32>} : memref<128x128xf32, #tpu.memory_space<vmem>>, vector<16xf32>,
      %swap3A_138 = arith.index_cast %scan3A_134 : i32 to index
      %swap3A_139 = arith.constant 16 : index
      %swap3A_140 = tpu.vector_load %arg10[%swap3A_138, %swap3A_139] {strides = array<i32>} : memref<128x128xf32, #tpu.memory_space<vmem>>, vector<16xf32>,
      tpu.vector_store %arg10[%swap3A_138, %swap3A_139], %broadcast_in_dim3A_1 {strides = array<i32>} : memref<128x128xf32, #tpu.memory_space<vmem>>, vector<16xf32>,
      %swap3A_141 = arith.index_cast %scan3A_134 : i32 to index
      %swap3A_142 = arith.constant 32 : index
      %swap3A_143 = tpu.vector_load %arg10[%swap3A_141, %swap3A_142] {strides = array<i32>} : memref<128x128xf32, #tpu.memory_space<vmem>>, vector<16xf32>,
      tpu.vector_store %arg10[%swap3A_141, %swap3A_142], %broadcast_in_dim3A_1 {strides = array<i32>} : memref<128x128xf32, #tpu.memory_space<vmem>>, vector<16xf32>,
      %swap3A_144 = arith.index_cast %scan3A_134 : i32 to index
      %swap3A_145 = arith.constant 48 : index
      %swap3A_146 = tpu.vector_load %arg10[%swap3A_144, %swap3A_145] {strides = array<i32>} : memref<128x128xf32, #tpu.memory_space<vmem>>, vector<16xf32>,
      tpu.vector_store %arg10[%swap3A_144, %swap3A_145], %broadcast_in_dim3A_1 {strides = array<i32>} : memref<128x128xf32, #tpu.memory_space<vmem>>, vector<16xf32>,
      %swap3A_147 = arith.index_cast %scan3A_134 : i32 to index
      %swap3A_148 = arith.constant 64 : index
      %swap3A_149 = tpu.vector_load %arg10[%swap3A_147, %swap3A_148] {strides = array<i32>} : memref<128x128xf32, #tpu.memory_space<vmem>>, vector<16xf32>,
      tpu.vector_store %arg10[%swap3A_147, %swap3A_148], %broadcast_in_dim3A_1 {strides = array<i32>} : memref<128x128xf32, #tpu.memory_space<vmem>>, vector<16xf32>,
      %swap3A_150 = arith.index_cast %scan3A_134 : i32 to index
      %swap3A_151 = arith.constant 80 : index
      %swap3A_152 = tpu.vector_load %arg10[%swap3A_150, %swap3A_151] {strides = array<i32>} : memref<128x128xf32, #tpu.memory_space<vmem>>, vector<16xf32>,
      tpu.vector_store %arg10[%swap3A_150, %swap3A_151], %broadcast_in_dim3A_1 {strides = array<i32>} : memref<128x128xf32, #tpu.memory_space<vmem>>, vector<16xf32>,
      %swap3A_153 = arith.index_cast %scan3A_134 : i32 to index
      %swap3A_154 = arith.constant 96 : index
      %swap3A_155 = tpu.vector_load %arg10[%swap3A_153, %swap3A_154] {strides = array<i32>} : memref<128x128xf32, #tpu.memory_space<vmem>>, vector<16xf32>,
      tpu.vector_store %arg10[%swap3A_153, %swap3A_154], %broadcast_in_dim3A_1 {strides = array<i32>} : memref<128x128xf32, #tpu.memory_space<vmem>>, vector<16xf32>,
      %swap3A_156 = arith.index_cast %scan3A_134 : i32 to index
      %swap3A_157 = arith.constant 112 : index
      %swap3A_158 = tpu.vector_load %arg10[%swap3A_156, %swap3A_157] {strides = array<i32>} : memref<128x128xf32, #tpu.memory_space<vmem>>, vector<16xf32>,
      tpu.vector_store %arg10[%swap3A_156, %swap3A_157], %broadcast_in_dim3A_1 {strides = array<i32>} : memref<128x128xf32, #tpu.memory_space<vmem>>, vector<16xf32>,
    }
    %scan3A_6 = arith.constant 128 : i32
    %mul3A_7 = arith.constant 640 : i32
    %mul3A_8 = arith.muli %arg1, %mul3A_7 : i32
    %add3A_9 = arith.constant 0 : i32
    %add3A_10 = arith.addi %mul3A_8, %add3A_9 : i32
    "tpu.region"() ({
      %run_scoped3A_134 = tpu.sem_alloc : memref<!tpu.dma_semaphore, #tpu.memory_space<semaphore_mem>>
      %dma_start3A_135 = arith.constant 0 : i32
      %dma_start3A_136 = tpu.memref_slice %arg17[%add3A_10, %dma_start3A_135] : memref<10240x128xf32, #tpu.memory_space<vmem_shared>> -> memref<128x128xf32, #tpu.memory_space<vmem_shared>>
      %dma_start3A_137 = arith.constant 0 : i32
      %dma_start3A_138 = tpu.memref_slice %arg17[%add3A_10, %dma_start3A_137] : memref<10240x128xf32, #tpu.memory_space<vmem_shared>> -> memref<128x128xf32, #tpu.memory_space<vmem_shared>>
      tpu.enqueue_dma source(%arg10 : memref<128x128xf32, #tpu.memory_space<vmem>>) target(%dma_start3A_138 : memref<128x128xf32, #tpu.memory_space<vmem_shared>>) target_semaphore(%run_scoped3A_134 : memref<!tpu.dma_semaphore, #tpu.memory_space<semaphore_mem>>)
      %dma_wait3A_139 = arith.constant 0 : i32
      %dma_wait3A_140 = tpu.memref_slice %arg17[%add3A_10, %dma_wait3A_139] : memref<10240x128xf32, #tpu.memory_space<vmem_shared>> -> memref<128x128xf32, #tpu.memory_space<vmem_shared>>
      %dma_wait3A_141 = arith.constant 0 : i32
      %dma_wait3A_142 = tpu.memref_slice %arg17[%add3A_10, %dma_wait3A_141] : memref<10240x128xf32, #tpu.memory_space<vmem_shared>> -> memref<128x128xf32, #tpu.memory_space<vmem_shared>>
      tpu.wait_dma2 semaphore(%run_scoped3A_134 : memref<!tpu.dma_semaphore, #tpu.memory_space<semaphore_mem>>) src(%arg10 : memref<128x128xf32, #tpu.memory_space<vmem>>) dst(%dma_wait3A_142 : memref<128x128xf32, #tpu.memory_space<vmem_shared>>)
      tpu.yield
    }) : () -> ()
    %mul3A_11 = arith.constant 640 : i32
    %mul3A_12 = arith.muli %arg1, %mul3A_11 : i32
    %add3A_13 = arith.constant 128 : i32
    %add3A_14 = arith.addi %mul3A_12, %add3A_13 : i32
    "tpu.region"() ({
      %run_scoped3A_134 = tpu.sem_alloc : memref<!tpu.dma_semaphore, #tpu.memory_space<semaphore_mem>>
      %dma_start3A_135 = arith.constant 0 : i32
      %dma_start3A_136 = tpu.memref_slice %arg17[%add3A_14, %dma_start3A_135] : memref<10240x128xf32, #tpu.memory_space<vmem_shared>> -> memref<128x128xf32, #tpu.memory_space<vmem_shared>>
      %dma_start3A_137 = arith.constant 0 : i32
      %dma_start3A_138 = tpu.memref_slice %arg17[%add3A_14, %dma_start3A_137] : memref<10240x128xf32, #tpu.memory_space<vmem_shared>> -> memref<128x128xf32, #tpu.memory_space<vmem_shared>>
      tpu.enqueue_dma source(%arg10 : memref<128x128xf32, #tpu.memory_space<vmem>>) target(%dma_start3A_138 : memref<128x128xf32, #tpu.memory_space<vmem_shared>>) target_semaphore(%run_scoped3A_134 : memref<!tpu.dma_semaphore, #tpu.memory_space<semaphore_mem>>)
      %dma_wait3A_139 = arith.constant 0 : i32
      %dma_wait3A_140 = tpu.memref_slice %arg17[%add3A_14, %dma_wait3A_139] : memref<10240x128xf32, #tpu.memory_space<vmem_shared>> -> memref<128x128xf32, #tpu.memory_space<vmem_shared>>
      %dma_wait3A_141 = arith.constant 0 : i32
      %dma_wait3A_142 = tpu.memref_slice %arg17[%add3A_14, %dma_wait3A_141] : memref<10240x128xf32, #tpu.memory_space<vmem_shared>> -> memref<128x128xf32, #tpu.memory_space<vmem_shared>>
      tpu.wait_dma2 semaphore(%run_scoped3A_134 : memref<!tpu.dma_semaphore, #tpu.memory_space<semaphore_mem>>) src(%arg10 : memref<128x128xf32, #tpu.memory_space<vmem>>) dst(%dma_wait3A_142 : memref<128x128xf32, #tpu.memory_space<vmem_shared>>)
      tpu.yield
    }) : () -> ()
    %mul3A_15 = arith.constant 640 : i32
    %mul3A_16 = arith.muli %arg1, %mul3A_15 : i32
    %add3A_17 = arith.constant 256 : i32
    %add3A_18 = arith.addi %mul3A_16, %add3A_17 : i32
    "tpu.region"() ({
      %run_scoped3A_134 = tpu.sem_alloc : memref<!tpu.dma_semaphore, #tpu.memory_space<semaphore_mem>>
      %dma_start3A_135 = arith.constant 0 : i32
      %dma_start3A_136 = tpu.memref_slice %arg17[%add3A_18, %dma_start3A_135] : memref<10240x128xf32, #tpu.memory_space<vmem_shared>> -> memref<128x128xf32, #tpu.memory_space<vmem_shared>>
      %dma_start3A_137 = arith.constant 0 : i32
      %dma_start3A_138 = tpu.memref_slice %arg17[%add3A_18, %dma_start3A_137] : memref<10240x128xf32, #tpu.memory_space<vmem_shared>> -> memref<128x128xf32, #tpu.memory_space<vmem_shared>>
      tpu.enqueue_dma source(%arg10 : memref<128x128xf32, #tpu.memory_space<vmem>>) target(%dma_start3A_138 : memref<128x128xf32, #tpu.memory_space<vmem_shared>>) target_semaphore(%run_scoped3A_134 : memref<!tpu.dma_semaphore, #tpu.memory_space<semaphore_mem>>)
      %dma_wait3A_139 = arith.constant 0 : i32
      %dma_wait3A_140 = tpu.memref_slice %arg17[%add3A_18, %dma_wait3A_139] : memref<10240x128xf32, #tpu.memory_space<vmem_shared>> -> memref<128x128xf32, #tpu.memory_space<vmem_shared>>
      %dma_wait3A_141 = arith.constant 0 : i32
      %dma_wait3A_142 = tpu.memref_slice %arg17[%add3A_18, %dma_wait3A_141] : memref<10240x128xf32, #tpu.memory_space<vmem_shared>> -> memref<128x128xf32, #tpu.memory_space<vmem_shared>>
      tpu.wait_dma2 semaphore(%run_scoped3A_134 : memref<!tpu.dma_semaphore, #tpu.memory_space<semaphore_mem>>) src(%arg10 : memref<128x128xf32, #tpu.memory_space<vmem>>) dst(%dma_wait3A_142 : memref<128x128xf32, #tpu.memory_space<vmem_shared>>)
      tpu.yield
    }) : () -> ()
    %mul3A_19 = arith.constant 640 : i32
    %mul3A_20 = arith.muli %arg1, %mul3A_19 : i32
    %add3A_21 = arith.constant 384 : i32
    %add3A_22 = arith.addi %mul3A_20, %add3A_21 : i32
    "tpu.region"() ({
      %run_scoped3A_134 = tpu.sem_alloc : memref<!tpu.dma_semaphore, #tpu.memory_space<semaphore_mem>>
      %dma_start3A_135 = arith.constant 0 : i32
      %dma_start3A_136 = tpu.memref_slice %arg17[%add3A_22, %dma_start3A_135] : memref<10240x128xf32, #tpu.memory_space<vmem_shared>> -> memref<128x128xf32, #tpu.memory_space<vmem_shared>>
      %dma_start3A_137 = arith.constant 0 : i32
      %dma_start3A_138 = tpu.memref_slice %arg17[%add3A_22, %dma_start3A_137] : memref<10240x128xf32, #tpu.memory_space<vmem_shared>> -> memref<128x128xf32, #tpu.memory_space<vmem_shared>>
      tpu.enqueue_dma source(%arg10 : memref<128x128xf32, #tpu.memory_space<vmem>>) target(%dma_start3A_138 : memref<128x128xf32, #tpu.memory_space<vmem_shared>>) target_semaphore(%run_scoped3A_134 : memref<!tpu.dma_semaphore, #tpu.memory_space<semaphore_mem>>)
      %dma_wait3A_139 = arith.constant 0 : i32
      %dma_wait3A_140 = tpu.memref_slice %arg17[%add3A_22, %dma_wait3A_139] : memref<10240x128xf32, #tpu.memory_space<vmem_shared>> -> memref<128x128xf32, #tpu.memory_space<vmem_shared>>
      %dma_wait3A_141 = arith.constant 0 : i32
      %dma_wait3A_142 = tpu.memref_slice %arg17[%add3A_22, %dma_wait3A_141] : memref<10240x128xf32, #tpu.memory_space<vmem_shared>> -> memref<128x128xf32, #tpu.memory_space<vmem_shared>>
      tpu.wait_dma2 semaphore(%run_scoped3A_134 : memref<!tpu.dma_semaphore, #tpu.memory_space<semaphore_mem>>) src(%arg10 : memref<128x128xf32, #tpu.memory_space<vmem>>) dst(%dma_wait3A_142 : memref<128x128xf32, #tpu.memory_space<vmem_shared>>)
      tpu.yield
    }) : () -> ()
    %mul3A_23 = arith.constant 640 : i32
    %mul3A_24 = arith.muli %arg1, %mul3A_23 : i32
    %add3A_25 = arith.constant 512 : i32
    %add3A_26 = arith.addi %mul3A_24, %add3A_25 : i32
    "tpu.region"() ({
      %run_scoped3A_134 = tpu.sem_alloc : memref<!tpu.dma_semaphore, #tpu.memory_space<semaphore_mem>>
      %dma_start3A_135 = arith.constant 0 : i32
      %dma_start3A_136 = tpu.memref_slice %arg17[%add3A_26, %dma_start3A_135] : memref<10240x128xf32, #tpu.memory_space<vmem_shared>> -> memref<128x128xf32, #tpu.memory_space<vmem_shared>>
      %dma_start3A_137 = arith.constant 0 : i32
      %dma_start3A_138 = tpu.memref_slice %arg17[%add3A_26, %dma_start3A_137] : memref<10240x128xf32, #tpu.memory_space<vmem_shared>> -> memref<128x128xf32, #tpu.memory_space<vmem_shared>>
      tpu.enqueue_dma source(%arg10 : memref<128x128xf32, #tpu.memory_space<vmem>>) target(%dma_start3A_138 : memref<128x128xf32, #tpu.memory_space<vmem_shared>>) target_semaphore(%run_scoped3A_134 : memref<!tpu.dma_semaphore, #tpu.memory_space<semaphore_mem>>)
      %dma_wait3A_139 = arith.constant 0 : i32
      %dma_wait3A_140 = tpu.memref_slice %arg17[%add3A_26, %dma_wait3A_139] : memref<10240x128xf32, #tpu.memory_space<vmem_shared>> -> memref<128x128xf32, #tpu.memory_space<vmem_shared>>
      %dma_wait3A_141 = arith.constant 0 : i32
      %dma_wait3A_142 = tpu.memref_slice %arg17[%add3A_26, %dma_wait3A_141] : memref<10240x128xf32, #tpu.memory_space<vmem_shared>> -> memref<128x128xf32, #tpu.memory_space<vmem_shared>>
      tpu.wait_dma2 semaphore(%run_scoped3A_134 : memref<!tpu.dma_semaphore, #tpu.memory_space<semaphore_mem>>) src(%arg10 : memref<128x128xf32, #tpu.memory_space<vmem>>) dst(%dma_wait3A_142 : memref<128x128xf32, #tpu.memory_space<vmem_shared>>)
      tpu.yield
    }) : () -> ()
    %mul3A_27 = arith.constant 640 : i32
    %mul3A_28 = arith.muli %arg1, %mul3A_27 : i32
    %add3A_29 = arith.constant 0 : i32
    %add3A_30 = arith.addi %mul3A_28, %add3A_29 : i32
    %run_scoped3A = arith.constant 0 : i32
    "tpu.region"() ({
      %run_scoped3A_134 = tpu.sem_alloc : memref<!tpu.dma_semaphore, #tpu.memory_space<semaphore_mem>>
      %dma_start3A_135 = arith.constant 0 : i32
      %dma_start3A_136 = tpu.memref_slice %arg10[%run_scoped3A, %dma_start3A_135] : memref<128x128xf32, #tpu.memory_space<vmem>> -> memref<1x128xf32, #tpu.memory_space<vmem>>
      %dma_start3A_137 = tpu.memref_squeeze %dma_start3A_136 : memref<1x128xf32, #tpu.memory_space<vmem>> -> memref<128xf32, #tpu.memory_space<vmem>>
      %dma_start3A_138 = tpu.memref_slice %arg18[%add3A_30] : memref<10240xf32, #tpu.memory_space<vmem_shared>> -> memref<128xf32, #tpu.memory_space<vmem_shared>>
      %dma_start3A_139 = tpu.memref_slice %arg18[%add3A_30] : memref<10240xf32, #tpu.memory_space<vmem_shared>> -> memref<128xf32, #tpu.memory_space<vmem_shared>>
      %dma_start3A_140 = arith.constant 0 : i32
      %dma_start3A_141 = tpu.memref_slice %arg10[%run_scoped3A, %dma_start3A_140] : memref<128x128xf32, #tpu.memory_space<vmem>> -> memref<1x128xf32, #tpu.memory_space<vmem>>
      %dma_start3A_142 = tpu.memref_squeeze %dma_start3A_141 : memref<1x128xf32, #tpu.memory_space<vmem>> -> memref<128xf32, #tpu.memory_space<vmem>>
      tpu.enqueue_dma source(%dma_start3A_142 : memref<128xf32, #tpu.memory_space<vmem>>) target(%dma_start3A_139 : memref<128xf32, #tpu.memory_space<vmem_shared>>) target_semaphore(%run_scoped3A_134 : memref<!tpu.dma_semaphore, #tpu.memory_space<semaphore_mem>>)
      %dma_wait3A_143 = arith.constant 0 : i32
      %dma_wait3A_144 = tpu.memref_slice %arg10[%run_scoped3A, %dma_wait3A_143] : memref<128x128xf32, #tpu.memory_space<vmem>> -> memref<1x128xf32, #tpu.memory_space<vmem>>
      %dma_wait3A_145 = tpu.memref_squeeze %dma_wait3A_144 : memref<1x128xf32, #tpu.memory_space<vmem>> -> memref<128xf32, #tpu.memory_space<vmem>>
      %dma_wait3A_146 = tpu.memref_slice %arg18[%add3A_30] : memref<10240xf32, #tpu.memory_space<vmem_shared>> -> memref<128xf32, #tpu.memory_space<vmem_shared>>
      %dma_wait3A_147 = tpu.memref_slice %arg18[%add3A_30] : memref<10240xf32, #tpu.memory_space<vmem_shared>> -> memref<128xf32, #tpu.memory_space<vmem_shared>>
      %dma_wait3A_148 = arith.constant 0 : i32
      %dma_wait3A_149 = tpu.memref_slice %arg10[%run_scoped3A, %dma_wait3A_148] : memref<128x128xf32, #tpu.memory_space<vmem>> -> memref<1x128xf32, #tpu.memory_space<vmem>>
      %dma_wait3A_150 = tpu.memref_squeeze %dma_wait3A_149 : memref<1x128xf32, #tpu.memory_space<vmem>> -> memref<128xf32, #tpu.memory_space<vmem>>
      tpu.wait_dma2 semaphore(%run_scoped3A_134 : memref<!tpu.dma_semaphore, #tpu.memory_space<semaphore_mem>>) src(%dma_wait3A_150 : memref<128xf32, #tpu.memory_space<vmem>>) dst(%dma_wait3A_147 : memref<128xf32, #tpu.memory_space<vmem_shared>>)
      tpu.yield
    }) : () -> ()
    %mul3A_31 = arith.constant 640 : i32
    %mul3A_32 = arith.muli %arg1, %mul3A_31 : i32
    %add3A_33 = arith.constant 128 : i32
    %add3A_34 = arith.addi %mul3A_32, %add3A_33 : i32
    %run_scoped3A_35 = arith.constant 0 : i32
    "tpu.region"() ({
      %run_scoped3A_134 = tpu.sem_alloc : memref<!tpu.dma_semaphore, #tpu.memory_space<semaphore_mem>>
      %dma_start3A_135 = arith.constant 0 : i32
      %dma_start3A_136 = tpu.memref_slice %arg10[%run_scoped3A_35, %dma_start3A_135] : memref<128x128xf32, #tpu.memory_space<vmem>> -> memref<1x128xf32, #tpu.memory_space<vmem>>
      %dma_start3A_137 = tpu.memref_squeeze %dma_start3A_136 : memref<1x128xf32, #tpu.memory_space<vmem>> -> memref<128xf32, #tpu.memory_space<vmem>>
      %dma_start3A_138 = tpu.memref_slice %arg18[%add3A_34] : memref<10240xf32, #tpu.memory_space<vmem_shared>> -> memref<128xf32, #tpu.memory_space<vmem_shared>>
      %dma_start3A_139 = tpu.memref_slice %arg18[%add3A_34] : memref<10240xf32, #tpu.memory_space<vmem_shared>> -> memref<128xf32, #tpu.memory_space<vmem_shared>>
      %dma_start3A_140 = arith.constant 0 : i32
      %dma_start3A_141 = tpu.memref_slice %arg10[%run_scoped3A_35, %dma_start3A_140] : memref<128x128xf32, #tpu.memory_space<vmem>> -> memref<1x128xf32, #tpu.memory_space<vmem>>
      %dma_start3A_142 = tpu.memref_squeeze %dma_start3A_141 : memref<1x128xf32, #tpu.memory_space<vmem>> -> memref<128xf32, #tpu.memory_space<vmem>>
      tpu.enqueue_dma source(%dma_start3A_142 : memref<128xf32, #tpu.memory_space<vmem>>) target(%dma_start3A_139 : memref<128xf32, #tpu.memory_space<vmem_shared>>) target_semaphore(%run_scoped3A_134 : memref<!tpu.dma_semaphore, #tpu.memory_space<semaphore_mem>>)
      %dma_wait3A_143 = arith.constant 0 : i32
      %dma_wait3A_144 = tpu.memref_slice %arg10[%run_scoped3A_35, %dma_wait3A_143] : memref<128x128xf32, #tpu.memory_space<vmem>> -> memref<1x128xf32, #tpu.memory_space<vmem>>
      %dma_wait3A_145 = tpu.memref_squeeze %dma_wait3A_144 : memref<1x128xf32, #tpu.memory_space<vmem>> -> memref<128xf32, #tpu.memory_space<vmem>>
      %dma_wait3A_146 = tpu.memref_slice %arg18[%add3A_34] : memref<10240xf32, #tpu.memory_space<vmem_shared>> -> memref<128xf32, #tpu.memory_space<vmem_shared>>
      %dma_wait3A_147 = tpu.memref_slice %arg18[%add3A_34] : memref<10240xf32, #tpu.memory_space<vmem_shared>> -> memref<128xf32, #tpu.memory_space<vmem_shared>>
      %dma_wait3A_148 = arith.constant 0 : i32
      %dma_wait3A_149 = tpu.memref_slice %arg10[%run_scoped3A_35, %dma_wait3A_148] : memref<128x128xf32, #tpu.memory_space<vmem>> -> memref<1x128xf32, #tpu.memory_space<vmem>>
      %dma_wait3A_150 = tpu.memref_squeeze %dma_wait3A_149 : memref<1x128xf32, #tpu.memory_space<vmem>> -> memref<128xf32, #tpu.memory_space<vmem>>
      tpu.wait_dma2 semaphore(%run_scoped3A_134 : memref<!tpu.dma_semaphore, #tpu.memory_space<semaphore_mem>>) src(%dma_wait3A_150 : memref<128xf32, #tpu.memory_space<vmem>>) dst(%dma_wait3A_147 : memref<128xf32, #tpu.memory_space<vmem_shared>>)
      tpu.yield
    }) : () -> ()
    %mul3A_36 = arith.constant 640 : i32
    %mul3A_37 = arith.muli %arg1, %mul3A_36 : i32
    %add3A_38 = arith.constant 256 : i32
    %add3A_39 = arith.addi %mul3A_37, %add3A_38 : i32
    %run_scoped3A_40 = arith.constant 0 : i32
    "tpu.region"() ({
      %run_scoped3A_134 = tpu.sem_alloc : memref<!tpu.dma_semaphore, #tpu.memory_space<semaphore_mem>>
      %dma_start3A_135 = arith.constant 0 : i32
      %dma_start3A_136 = tpu.memref_slice %arg10[%run_scoped3A_40, %dma_start3A_135] : memref<128x128xf32, #tpu.memory_space<vmem>> -> memref<1x128xf32, #tpu.memory_space<vmem>>
      %dma_start3A_137 = tpu.memref_squeeze %dma_start3A_136 : memref<1x128xf32, #tpu.memory_space<vmem>> -> memref<128xf32, #tpu.memory_space<vmem>>
      %dma_start3A_138 = tpu.memref_slice %arg18[%add3A_39] : memref<10240xf32, #tpu.memory_space<vmem_shared>> -> memref<128xf32, #tpu.memory_space<vmem_shared>>
      %dma_start3A_139 = tpu.memref_slice %arg18[%add3A_39] : memref<10240xf32, #tpu.memory_space<vmem_shared>> -> memref<128xf32, #tpu.memory_space<vmem_shared>>
      %dma_start3A_140 = arith.constant 0 : i32
      %dma_start3A_141 = tpu.memref_slice %arg10[%run_scoped3A_40, %dma_start3A_140] : memref<128x128xf32, #tpu.memory_space<vmem>> -> memref<1x128xf32, #tpu.memory_space<vmem>>
      %dma_start3A_142 = tpu.memref_squeeze %dma_start3A_141 : memref<1x128xf32, #tpu.memory_space<vmem>> -> memref<128xf32, #tpu.memory_space<vmem>>
      tpu.enqueue_dma source(%dma_start3A_142 : memref<128xf32, #tpu.memory_space<vmem>>) target(%dma_start3A_139 : memref<128xf32, #tpu.memory_space<vmem_shared>>) target_semaphore(%run_scoped3A_134 : memref<!tpu.dma_semaphore, #tpu.memory_space<semaphore_mem>>)
      %dma_wait3A_143 = arith.constant 0 : i32
      %dma_wait3A_144 = tpu.memref_slice %arg10[%run_scoped3A_40, %dma_wait3A_143] : memref<128x128xf32, #tpu.memory_space<vmem>> -> memref<1x128xf32, #tpu.memory_space<vmem>>
      %dma_wait3A_145 = tpu.memref_squeeze %dma_wait3A_144 : memref<1x128xf32, #tpu.memory_space<vmem>> -> memref<128xf32, #tpu.memory_space<vmem>>
      %dma_wait3A_146 = tpu.memref_slice %arg18[%add3A_39] : memref<10240xf32, #tpu.memory_space<vmem_shared>> -> memref<128xf32, #tpu.memory_space<vmem_shared>>
      %dma_wait3A_147 = tpu.memref_slice %arg18[%add3A_39] : memref<10240xf32, #tpu.memory_space<vmem_shared>> -> memref<128xf32, #tpu.memory_space<vmem_shared>>
      %dma_wait3A_148 = arith.constant 0 : i32
      %dma_wait3A_149 = tpu.memref_slice %arg10[%run_scoped3A_40, %dma_wait3A_148] : memref<128x128xf32, #tpu.memory_space<vmem>> -> memref<1x128xf32, #tpu.memory_space<vmem>>
      %dma_wait3A_150 = tpu.memref_squeeze %dma_wait3A_149 : memref<1x128xf32, #tpu.memory_space<vmem>> -> memref<128xf32, #tpu.memory_space<vmem>>
      tpu.wait_dma2 semaphore(%run_scoped3A_134 : memref<!tpu.dma_semaphore, #tpu.memory_space<semaphore_mem>>) src(%dma_wait3A_150 : memref<128xf32, #tpu.memory_space<vmem>>) dst(%dma_wait3A_147 : memref<128xf32, #tpu.memory_space<vmem_shared>>)
      tpu.yield
    }) : () -> ()
    %mul3A_41 = arith.constant 640 : i32
    %mul3A_42 = arith.muli %arg1, %mul3A_41 : i32
    %add3A_43 = arith.constant 384 : i32
    %add3A_44 = arith.addi %mul3A_42, %add3A_43 : i32
    %run_scoped3A_45 = arith.constant 0 : i32
    "tpu.region"() ({
      %run_scoped3A_134 = tpu.sem_alloc : memref<!tpu.dma_semaphore, #tpu.memory_space<semaphore_mem>>
      %dma_start3A_135 = arith.constant 0 : i32
      %dma_start3A_136 = tpu.memref_slice %arg10[%run_scoped3A_45, %dma_start3A_135] : memref<128x128xf32, #tpu.memory_space<vmem>> -> memref<1x128xf32, #tpu.memory_space<vmem>>
      %dma_start3A_137 = tpu.memref_squeeze %dma_start3A_136 : memref<1x128xf32, #tpu.memory_space<vmem>> -> memref<128xf32, #tpu.memory_space<vmem>>
      %dma_start3A_138 = tpu.memref_slice %arg18[%add3A_44] : memref<10240xf32, #tpu.memory_space<vmem_shared>> -> memref<128xf32, #tpu.memory_space<vmem_shared>>
      %dma_start3A_139 = tpu.memref_slice %arg18[%add3A_44] : memref<10240xf32, #tpu.memory_space<vmem_shared>> -> memref<128xf32, #tpu.memory_space<vmem_shared>>
      %dma_start3A_140 = arith.constant 0 : i32
      %dma_start3A_141 = tpu.memref_slice %arg10[%run_scoped3A_45, %dma_start3A_140] : memref<128x128xf32, #tpu.memory_space<vmem>> -> memref<1x128xf32, #tpu.memory_space<vmem>>
      %dma_start3A_142 = tpu.memref_squeeze %dma_start3A_141 : memref<1x128xf32, #tpu.memory_space<vmem>> -> memref<128xf32, #tpu.memory_space<vmem>>
      tpu.enqueue_dma source(%dma_start3A_142 : memref<128xf32, #tpu.memory_space<vmem>>) target(%dma_start3A_139 : memref<128xf32, #tpu.memory_space<vmem_shared>>) target_semaphore(%run_scoped3A_134 : memref<!tpu.dma_semaphore, #tpu.memory_space<semaphore_mem>>)
      %dma_wait3A_143 = arith.constant 0 : i32
      %dma_wait3A_144 = tpu.memref_slice %arg10[%run_scoped3A_45, %dma_wait3A_143] : memref<128x128xf32, #tpu.memory_space<vmem>> -> memref<1x128xf32, #tpu.memory_space<vmem>>
      %dma_wait3A_145 = tpu.memref_squeeze %dma_wait3A_144 : memref<1x128xf32, #tpu.memory_space<vmem>> -> memref<128xf32, #tpu.memory_space<vmem>>
      %dma_wait3A_146 = tpu.memref_slice %arg18[%add3A_44] : memref<10240xf32, #tpu.memory_space<vmem_shared>> -> memref<128xf32, #tpu.memory_space<vmem_shared>>
      %dma_wait3A_147 = tpu.memref_slice %arg18[%add3A_44] : memref<10240xf32, #tpu.memory_space<vmem_shared>> -> memref<128xf32, #tpu.memory_space<vmem_shared>>
      %dma_wait3A_148 = arith.constant 0 : i32
      %dma_wait3A_149 = tpu.memref_slice %arg10[%run_scoped3A_45, %dma_wait3A_148] : memref<128x128xf32, #tpu.memory_space<vmem>> -> memref<1x128xf32, #tpu.memory_space<vmem>>
      %dma_wait3A_150 = tpu.memref_squeeze %dma_wait3A_149 : memref<1x128xf32, #tpu.memory_space<vmem>> -> memref<128xf32, #tpu.memory_space<vmem>>
      tpu.wait_dma2 semaphore(%run_scoped3A_134 : memref<!tpu.dma_semaphore, #tpu.memory_space<semaphore_mem>>) src(%dma_wait3A_150 : memref<128xf32, #tpu.memory_space<vmem>>) dst(%dma_wait3A_147 : memref<128xf32, #tpu.memory_space<vmem_shared>>)
      tpu.yield
    }) : () -> ()
    %mul3A_46 = arith.constant 640 : i32
    %mul3A_47 = arith.muli %arg1, %mul3A_46 : i32
    %add3A_48 = arith.constant 512 : i32
    %add3A_49 = arith.addi %mul3A_47, %add3A_48 : i32
    %run_scoped3A_50 = arith.constant 0 : i32
    "tpu.region"() ({
      %run_scoped3A_134 = tpu.sem_alloc : memref<!tpu.dma_semaphore, #tpu.memory_space<semaphore_mem>>
      %dma_start3A_135 = arith.constant 0 : i32
      %dma_start3A_136 = tpu.memref_slice %arg10[%run_scoped3A_50, %dma_start3A_135] : memref<128x128xf32, #tpu.memory_space<vmem>> -> memref<1x128xf32, #tpu.memory_space<vmem>>
      %dma_start3A_137 = tpu.memref_squeeze %dma_start3A_136 : memref<1x128xf32, #tpu.memory_space<vmem>> -> memref<128xf32, #tpu.memory_space<vmem>>
      %dma_start3A_138 = tpu.memref_slice %arg18[%add3A_49] : memref<10240xf32, #tpu.memory_space<vmem_shared>> -> memref<128xf32, #tpu.memory_space<vmem_shared>>
      %dma_start3A_139 = tpu.memref_slice %arg18[%add3A_49] : memref<10240xf32, #tpu.memory_space<vmem_shared>> -> memref<128xf32, #tpu.memory_space<vmem_shared>>
      %dma_start3A_140 = arith.constant 0 : i32
      %dma_start3A_141 = tpu.memref_slice %arg10[%run_scoped3A_50, %dma_start3A_140] : memref<128x128xf32, #tpu.memory_space<vmem>> -> memref<1x128xf32, #tpu.memory_space<vmem>>
      %dma_start3A_142 = tpu.memref_squeeze %dma_start3A_141 : memref<1x128xf32, #tpu.memory_space<vmem>> -> memref<128xf32, #tpu.memory_space<vmem>>
      tpu.enqueue_dma source(%dma_start3A_142 : memref<128xf32, #tpu.memory_space<vmem>>) target(%dma_start3A_139 : memref<128xf32, #tpu.memory_space<vmem_shared>>) target_semaphore(%run_scoped3A_134 : memref<!tpu.dma_semaphore, #tpu.memory_space<semaphore_mem>>)
      %dma_wait3A_143 = arith.constant 0 : i32
      %dma_wait3A_144 = tpu.memref_slice %arg10[%run_scoped3A_50, %dma_wait3A_143] : memref<128x128xf32, #tpu.memory_space<vmem>> -> memref<1x128xf32, #tpu.memory_space<vmem>>
      %dma_wait3A_145 = tpu.memref_squeeze %dma_wait3A_144 : memref<1x128xf32, #tpu.memory_space<vmem>> -> memref<128xf32, #tpu.memory_space<vmem>>
      %dma_wait3A_146 = tpu.memref_slice %arg18[%add3A_49] : memref<10240xf32, #tpu.memory_space<vmem_shared>> -> memref<128xf32, #tpu.memory_space<vmem_shared>>
      %dma_wait3A_147 = tpu.memref_slice %arg18[%add3A_49] : memref<10240xf32, #tpu.memory_space<vmem_shared>> -> memref<128xf32, #tpu.memory_space<vmem_shared>>
      %dma_wait3A_148 = arith.constant 0 : i32
      %dma_wait3A_149 = tpu.memref_slice %arg10[%run_scoped3A_50, %dma_wait3A_148] : memref<128x128xf32, #tpu.memory_space<vmem>> -> memref<1x128xf32, #tpu.memory_space<vmem>>
      %dma_wait3A_150 = tpu.memref_squeeze %dma_wait3A_149 : memref<1x128xf32, #tpu.memory_space<vmem>> -> memref<128xf32, #tpu.memory_space<vmem>>
      tpu.wait_dma2 semaphore(%run_scoped3A_134 : memref<!tpu.dma_semaphore, #tpu.memory_space<semaphore_mem>>) src(%dma_wait3A_150 : memref<128xf32, #tpu.memory_space<vmem>>) dst(%dma_wait3A_147 : memref<128xf32, #tpu.memory_space<vmem_shared>>)
      tpu.yield
    }) : () -> ()
    %eq3A = arith.constant 0 : i32
    %eq3A_51 = arith.cmpi eq, %arg1, %eq3A : i32
    %convert_element_type3A = arith.extui %eq3A_51 : i1 to i32
    %cond3A = arith.constant 0 : i32
    %cond3A_52 = arith.cmpi ne, %convert_element_type3A, %cond3A : i32
    scf.if %cond3A_52 {
      %run_scoped3A_134 = arith.constant 0 : i32
      "tpu.region"() ({
        %run_scoped3A_136 = tpu.sem_alloc : memref<!tpu.dma_semaphore, #tpu.memory_space<semaphore_mem>>
        %dma_start3A_137 = arith.constant 0 : i32
        %dma_start3A_138 = tpu.memref_slice %arg2[%run_scoped3A_134, %dma_start3A_137] : memref<8x10000xf32, #tpu.memory_space<hbm>> -> memref<1x10000xf32, #tpu.memory_space<hbm>>
        %dma_start3A_139 = tpu.memref_squeeze %dma_start3A_138 : memref<1x10000xf32, #tpu.memory_space<hbm>> -> memref<10000xf32, #tpu.memory_space<hbm>>
        tpu.enqueue_dma source(%dma_start3A_139 : memref<10000xf32, #tpu.memory_space<hbm>>) target(%arg15 : memref<10000xf32, #tpu.memory_space<vmem_shared>>) target_semaphore(%run_scoped3A_136 : memref<!tpu.dma_semaphore, #tpu.memory_space<semaphore_mem>>)
        %dma_wait3A_140 = arith.constant 0 : i32
        %dma_wait3A_141 = tpu.memref_slice %arg2[%run_scoped3A_134, %dma_wait3A_140] : memref<8x10000xf32, #tpu.memory_space<hbm>> -> memref<1x10000xf32, #tpu.memory_space<hbm>>
        %dma_wait3A_142 = tpu.memref_squeeze %dma_wait3A_141 : memref<1x10000xf32, #tpu.memory_space<hbm>> -> memref<10000xf32, #tpu.memory_space<hbm>>
        tpu.wait_dma2 semaphore(%run_scoped3A_136 : memref<!tpu.dma_semaphore, #tpu.memory_space<semaphore_mem>>) src(%dma_wait3A_142 : memref<10000xf32, #tpu.memory_space<hbm>>) dst(%arg15 : memref<10000xf32, #tpu.memory_space<vmem_shared>>)
        tpu.yield
      }) : () -> ()
      %run_scoped3A_135 = arith.constant 1 : i32
      "tpu.region"() ({
        %run_scoped3A_136 = tpu.sem_alloc : memref<!tpu.dma_semaphore, #tpu.memory_space<semaphore_mem>>
        %dma_start3A_137 = arith.constant 0 : i32
        %dma_start3A_138 = tpu.memref_slice %arg2[%run_scoped3A_135, %dma_start3A_137] : memref<8x10000xf32, #tpu.memory_space<hbm>> -> memref<1x10000xf32, #tpu.memory_space<hbm>>
        %dma_start3A_139 = tpu.memref_squeeze %dma_start3A_138 : memref<1x10000xf32, #tpu.memory_space<hbm>> -> memref<10000xf32, #tpu.memory_space<hbm>>
        tpu.enqueue_dma source(%dma_start3A_139 : memref<10000xf32, #tpu.memory_space<hbm>>) target(%arg16 : memref<10000xf32, #tpu.memory_space<vmem_shared>>) target_semaphore(%run_scoped3A_136 : memref<!tpu.dma_semaphore, #tpu.memory_space<semaphore_mem>>)
        %dma_wait3A_140 = arith.constant 0 : i32
        %dma_wait3A_141 = tpu.memref_slice %arg2[%run_scoped3A_135, %dma_wait3A_140] : memref<8x10000xf32, #tpu.memory_space<hbm>> -> memref<1x10000xf32, #tpu.memory_space<hbm>>
        %dma_wait3A_142 = tpu.memref_squeeze %dma_wait3A_141 : memref<1x10000xf32, #tpu.memory_space<hbm>> -> memref<10000xf32, #tpu.memory_space<hbm>>
        tpu.wait_dma2 semaphore(%run_scoped3A_136 : memref<!tpu.dma_semaphore, #tpu.memory_space<semaphore_mem>>) src(%dma_wait3A_142 : memref<10000xf32, #tpu.memory_space<hbm>>) dst(%arg16 : memref<10000xf32, #tpu.memory_space<vmem_shared>>)
        tpu.yield
      }) : () -> ()
    } else {
    }
    "tpu.region"() ({
      %run_scoped3A_134 = tpu.sem_alloc : memref<!tpu.dma_semaphore, #tpu.memory_space<semaphore_mem>>
      %dma_start3A_135 = arith.constant 0 : i32
      %dma_start3A_136 = arith.constant 0 : i32
      %dma_start3A_137 = tpu.memref_slice %arg3[%add3A, %dma_start3A_135, %dma_start3A_136] : memref<32x80x128xi32, #tpu.memory_space<hbm>> -> memref<1x80x128xi32, #tpu.memory_space<hbm>>
      %dma_start3A_138 = tpu.memref_squeeze %dma_start3A_137 : memref<1x80x128xi32, #tpu.memory_space<hbm>> -> memref<80x128xi32, #tpu.memory_space<hbm>>
      %dma_start3A_139 = arith.constant 0 : i32
      %dma_start3A_140 = arith.constant 0 : i32
      %dma_start3A_141 = tpu.memref_slice %arg3[%add3A, %dma_start3A_139, %dma_start3A_140] : memref<32x80x128xi32, #tpu.memory_space<hbm>> -> memref<1x80x128xi32, #tpu.memory_space<hbm>>
      %dma_start3A_142 = tpu.memref_squeeze %dma_start3A_141 : memref<1x80x128xi32, #tpu.memory_space<hbm>> -> memref<80x128xi32, #tpu.memory_space<hbm>>
      tpu.enqueue_dma source(%dma_start3A_142 : memref<80x128xi32, #tpu.memory_space<hbm>>) target(%arg8 : memref<80x128xi32, #tpu.memory_space<vmem>>) target_semaphore(%run_scoped3A_134 : memref<!tpu.dma_semaphore, #tpu.memory_space<semaphore_mem>>)
      %dma_wait3A_143 = arith.constant 0 : i32
      %dma_wait3A_144 = arith.constant 0 : i32
      %dma_wait3A_145 = tpu.memref_slice %arg3[%add3A, %dma_wait3A_143, %dma_wait3A_144] : memref<32x80x128xi32, #tpu.memory_space<hbm>> -> memref<1x80x128xi32, #tpu.memory_space<hbm>>
      %dma_wait3A_146 = tpu.memref_squeeze %dma_wait3A_145 : memref<1x80x128xi32, #tpu.memory_space<hbm>> -> memref<80x128xi32, #tpu.memory_space<hbm>>
      %dma_wait3A_147 = arith.constant 0 : i32
      %dma_wait3A_148 = arith.constant 0 : i32
      %dma_wait3A_149 = tpu.memref_slice %arg3[%add3A, %dma_wait3A_147, %dma_wait3A_148] : memref<32x80x128xi32, #tpu.memory_space<hbm>> -> memref<1x80x128xi32, #tpu.memory_space<hbm>>
      %dma_wait3A_150 = tpu.memref_squeeze %dma_wait3A_149 : memref<1x80x128xi32, #tpu.memory_space<hbm>> -> memref<80x128xi32, #tpu.memory_space<hbm>>
      tpu.wait_dma2 semaphore(%run_scoped3A_134 : memref<!tpu.dma_semaphore, #tpu.memory_space<semaphore_mem>>) src(%dma_wait3A_150 : memref<80x128xi32, #tpu.memory_space<hbm>>) dst(%arg8 : memref<80x128xi32, #tpu.memory_space<vmem>>)
      tpu.yield
    }) : () -> ()
    "tpu.region"() ({
      %run_scoped3A_134 = tpu.sem_alloc : memref<!tpu.dma_semaphore, #tpu.memory_space<semaphore_mem>>
      %dma_start3A_135 = arith.constant 0 : i32
      %dma_start3A_136 = arith.constant 0 : i32
      %dma_start3A_137 = tpu.memref_slice %arg4[%add3A, %dma_start3A_135, %dma_start3A_136] : memref<32x80x128xi32, #tpu.memory_space<hbm>> -> memref<1x80x128xi32, #tpu.memory_space<hbm>>
      %dma_start3A_138 = tpu.memref_squeeze %dma_start3A_137 : memref<1x80x128xi32, #tpu.memory_space<hbm>> -> memref<80x128xi32, #tpu.memory_space<hbm>>
      %dma_start3A_139 = arith.constant 0 : i32
      %dma_start3A_140 = arith.constant 0 : i32
      %dma_start3A_141 = tpu.memref_slice %arg4[%add3A, %dma_start3A_139, %dma_start3A_140] : memref<32x80x128xi32, #tpu.memory_space<hbm>> -> memref<1x80x128xi32, #tpu.memory_space<hbm>>
      %dma_start3A_142 = tpu.memref_squeeze %dma_start3A_141 : memref<1x80x128xi32, #tpu.memory_space<hbm>> -> memref<80x128xi32, #tpu.memory_space<hbm>>
      tpu.enqueue_dma source(%dma_start3A_142 : memref<80x128xi32, #tpu.memory_space<hbm>>) target(%arg9 : memref<80x128xi32, #tpu.memory_space<vmem>>) target_semaphore(%run_scoped3A_134 : memref<!tpu.dma_semaphore, #tpu.memory_space<semaphore_mem>>)
      %dma_wait3A_143 = arith.constant 0 : i32
      %dma_wait3A_144 = arith.constant 0 : i32
      %dma_wait3A_145 = tpu.memref_slice %arg4[%add3A, %dma_wait3A_143, %dma_wait3A_144] : memref<32x80x128xi32, #tpu.memory_space<hbm>> -> memref<1x80x128xi32, #tpu.memory_space<hbm>>
      %dma_wait3A_146 = tpu.memref_squeeze %dma_wait3A_145 : memref<1x80x128xi32, #tpu.memory_space<hbm>> -> memref<80x128xi32, #tpu.memory_space<hbm>>
      %dma_wait3A_147 = arith.constant 0 : i32
      %dma_wait3A_148 = arith.constant 0 : i32
      %dma_wait3A_149 = tpu.memref_slice %arg4[%add3A, %dma_wait3A_147, %dma_wait3A_148] : memref<32x80x128xi32, #tpu.memory_space<hbm>> -> memref<1x80x128xi32, #tpu.memory_space<hbm>>
      %dma_wait3A_150 = tpu.memref_squeeze %dma_wait3A_149 : memref<1x80x128xi32, #tpu.memory_space<hbm>> -> memref<80x128xi32, #tpu.memory_space<hbm>>
      tpu.wait_dma2 semaphore(%run_scoped3A_134 : memref<!tpu.dma_semaphore, #tpu.memory_space<semaphore_mem>>) src(%dma_wait3A_150 : memref<80x128xi32, #tpu.memory_space<hbm>>) dst(%arg9 : memref<80x128xi32, #tpu.memory_space<vmem>>)
      tpu.yield
    }) : () -> ()
    %swap3A = arith.constant 0 : index
    %swap3A_53 = tpu.vector_load %arg11[%swap3A] {strides = array<i32>} : memref<144xf32, #tpu.memory_space<vmem>>, vector<16xf32>,
    tpu.vector_store %arg11[%swap3A], %broadcast_in_dim3A_1 {strides = array<i32>} : memref<144xf32, #tpu.memory_space<vmem>>, vector<16xf32>,
    %swap3A_54 = arith.constant 0 : index
    %swap3A_55 = tpu.vector_load %arg12[%swap3A_54] {strides = array<i32>} : memref<144xf32, #tpu.memory_space<vmem>>, vector<16xf32>,
    tpu.vector_store %arg12[%swap3A_54], %broadcast_in_dim3A_1 {strides = array<i32>} : memref<144xf32, #tpu.memory_space<vmem>>, vector<16xf32>,
    %swap3A_56 = arith.constant 16 : index
    %swap3A_57 = tpu.vector_load %arg11[%swap3A_56] {strides = array<i32>} : memref<144xf32, #tpu.memory_space<vmem>>, vector<16xf32>,
    tpu.vector_store %arg11[%swap3A_56], %broadcast_in_dim3A_1 {strides = array<i32>} : memref<144xf32, #tpu.memory_space<vmem>>, vector<16xf32>,
    %swap3A_58 = arith.constant 16 : index
    %swap3A_59 = tpu.vector_load %arg12[%swap3A_58] {strides = array<i32>} : memref<144xf32, #tpu.memory_space<vmem>>, vector<16xf32>,
    tpu.vector_store %arg12[%swap3A_58], %broadcast_in_dim3A_1 {strides = array<i32>} : memref<144xf32, #tpu.memory_space<vmem>>, vector<16xf32>,
    %swap3A_60 = arith.constant 32 : index
    %swap3A_61 = tpu.vector_load %arg11[%swap3A_60] {strides = array<i32>} : memref<144xf32, #tpu.memory_space<vmem>>, vector<16xf32>,
    tpu.vector_store %arg11[%swap3A_60], %broadcast_in_dim3A_1 {strides = array<i32>} : memref<144xf32, #tpu.memory_space<vmem>>, vector<16xf32>,
    %swap3A_62 = arith.constant 32 : index
    %swap3A_63 = tpu.vector_load %arg12[%swap3A_62] {strides = array<i32>} : memref<144xf32, #tpu.memory_space<vmem>>, vector<16xf32>,
    tpu.vector_store %arg12[%swap3A_62], %broadcast_in_dim3A_1 {strides = array<i32>} : memref<144xf32, #tpu.memory_space<vmem>>, vector<16xf32>,
    %swap3A_64 = arith.constant 48 : index
    %swap3A_65 = tpu.vector_load %arg11[%swap3A_64] {strides = array<i32>} : memref<144xf32, #tpu.memory_space<vmem>>, vector<16xf32>,
    tpu.vector_store %arg11[%swap3A_64], %broadcast_in_dim3A_1 {strides = array<i32>} : memref<144xf32, #tpu.memory_space<vmem>>, vector<16xf32>,
    %swap3A_66 = arith.constant 48 : index
    %swap3A_67 = tpu.vector_load %arg12[%swap3A_66] {strides = array<i32>} : memref<144xf32, #tpu.memory_space<vmem>>, vector<16xf32>,
    tpu.vector_store %arg12[%swap3A_66], %broadcast_in_dim3A_1 {strides = array<i32>} : memref<144xf32, #tpu.memory_space<vmem>>, vector<16xf32>,
    %swap3A_68 = arith.constant 64 : index
    %swap3A_69 = tpu.vector_load %arg11[%swap3A_68] {strides = array<i32>} : memref<144xf32, #tpu.memory_space<vmem>>, vector<16xf32>,
    tpu.vector_store %arg11[%swap3A_68], %broadcast_in_dim3A_1 {strides = array<i32>} : memref<144xf32, #tpu.memory_space<vmem>>, vector<16xf32>,
    %swap3A_70 = arith.constant 64 : index
    %swap3A_71 = tpu.vector_load %arg12[%swap3A_70] {strides = array<i32>} : memref<144xf32, #tpu.memory_space<vmem>>, vector<16xf32>,
    tpu.vector_store %arg12[%swap3A_70], %broadcast_in_dim3A_1 {strides = array<i32>} : memref<144xf32, #tpu.memory_space<vmem>>, vector<16xf32>,
    %swap3A_72 = arith.constant 80 : index
    %swap3A_73 = tpu.vector_load %arg11[%swap3A_72] {strides = array<i32>} : memref<144xf32, #tpu.memory_space<vmem>>, vector<16xf32>,
    tpu.vector_store %arg11[%swap3A_72], %broadcast_in_dim3A_1 {strides = array<i32>} : memref<144xf32, #tpu.memory_space<vmem>>, vector<16xf32>,
    %swap3A_74 = arith.constant 80 : index
    %swap3A_75 = tpu.vector_load %arg12[%swap3A_74] {strides = array<i32>} : memref<144xf32, #tpu.memory_space<vmem>>, vector<16xf32>,
    tpu.vector_store %arg12[%swap3A_74], %broadcast_in_dim3A_1 {strides = array<i32>} : memref<144xf32, #tpu.memory_space<vmem>>, vector<16xf32>,
    %swap3A_76 = arith.constant 96 : index
    %swap3A_77 = tpu.vector_load %arg11[%swap3A_76] {strides = array<i32>} : memref<144xf32, #tpu.memory_space<vmem>>, vector<16xf32>,
    tpu.vector_store %arg11[%swap3A_76], %broadcast_in_dim3A_1 {strides = array<i32>} : memref<144xf32, #tpu.memory_space<vmem>>, vector<16xf32>,
    %swap3A_78 = arith.constant 96 : index
    %swap3A_79 = tpu.vector_load %arg12[%swap3A_78] {strides = array<i32>} : memref<144xf32, #tpu.memory_space<vmem>>, vector<16xf32>,
    tpu.vector_store %arg12[%swap3A_78], %broadcast_in_dim3A_1 {strides = array<i32>} : memref<144xf32, #tpu.memory_space<vmem>>, vector<16xf32>,
    %swap3A_80 = arith.constant 112 : index
    %swap3A_81 = tpu.vector_load %arg11[%swap3A_80] {strides = array<i32>} : memref<144xf32, #tpu.memory_space<vmem>>, vector<16xf32>,
    tpu.vector_store %arg11[%swap3A_80], %broadcast_in_dim3A_1 {strides = array<i32>} : memref<144xf32, #tpu.memory_space<vmem>>, vector<16xf32>,
    %swap3A_82 = arith.constant 112 : index
    %swap3A_83 = tpu.vector_load %arg12[%swap3A_82] {strides = array<i32>} : memref<144xf32, #tpu.memory_space<vmem>>, vector<16xf32>,
    tpu.vector_store %arg12[%swap3A_82], %broadcast_in_dim3A_1 {strides = array<i32>} : memref<144xf32, #tpu.memory_space<vmem>>, vector<16xf32>,
    %swap3A_84 = arith.constant 128 : index
    %swap3A_85 = tpu.vector_load %arg11[%swap3A_84] {strides = array<i32>} : memref<144xf32, #tpu.memory_space<vmem>>, vector<16xf32>,
    tpu.vector_store %arg11[%swap3A_84], %broadcast_in_dim3A_1 {strides = array<i32>} : memref<144xf32, #tpu.memory_space<vmem>>, vector<16xf32>,
    %swap3A_86 = arith.constant 128 : index
    %swap3A_87 = tpu.vector_load %arg12[%swap3A_86] {strides = array<i32>} : memref<144xf32, #tpu.memory_space<vmem>>, vector<16xf32>,
    tpu.vector_store %arg12[%swap3A_86], %broadcast_in_dim3A_1 {strides = array<i32>} : memref<144xf32, #tpu.memory_space<vmem>>, vector<16xf32>,
    %barrier3A = arith.constant 0 : index
    tpu.barrier barrier_id(%barrier3A)
    %dma_start3A = arith.constant 0 : i32
    %dma_start3A_88 = arith.constant 0 : i32
    %dma_start3A_89 = tpu.memref_slice %arg9[%dma_start3A, %dma_start3A_88] : memref<80x128xi32, #tpu.memory_space<vmem>> -> memref<1x128xi32, #tpu.memory_space<vmem>>
    %dma_start3A_90 = tpu.memref_squeeze %dma_start3A_89 : memref<1x128xi32, #tpu.memory_space<vmem>> -> memref<128xi32, #tpu.memory_space<vmem>>
    %dma_start3A_91 = arith.constant 0 : i32
    %dma_start3A_92 = arith.constant 0 : i32
    %dma_start3A_93 = tpu.memref_slice %arg17[%dma_start3A_91, %dma_start3A_92] : memref<10240x128xf32, #tpu.memory_space<vmem_shared>> -> memref<10240x128xf32, #tpu.memory_space<vmem_shared>>
    tpu.enqueue_indirect_dma source(%arg10 : memref<128x128xf32, #tpu.memory_space<vmem>>) target(%dma_start3A_93 : memref<10240x128xf32, #tpu.memory_space<vmem_shared>>) offsets(%dma_start3A_90 : memref<128xi32, #tpu.memory_space<vmem>>) semaphore(%arg20 : memref<!tpu.dma_semaphore, #tpu.memory_space<semaphore_mem>>) {add = true}
    %dma_start3A_94 = arith.constant 0 : i32
    %dma_start3A_95 = arith.constant 0 : i32
    %dma_start3A_96 = tpu.memref_slice %arg12[%dma_start3A_95] : memref<144xf32, #tpu.memory_space<vmem>> -> memref<128xf32, #tpu.memory_space<vmem>>
    %dma_start3A_97 = arith.constant 0 : i32
    %dma_start3A_98 = tpu.memref_slice %arg9[%dma_start3A_94, %dma_start3A_97] : memref<80x128xi32, #tpu.memory_space<vmem>> -> memref<1x128xi32, #tpu.memory_space<vmem>>
    %dma_start3A_99 = tpu.memref_squeeze %dma_start3A_98 : memref<1x128xi32, #tpu.memory_space<vmem>> -> memref<128xi32, #tpu.memory_space<vmem>>
    %dma_start3A_100 = arith.constant 0 : i32
    %dma_start3A_101 = tpu.memref_slice %arg18[%dma_start3A_100] : memref<10240xf32, #tpu.memory_space<vmem_shared>> -> memref<10240xf32, #tpu.memory_space<vmem_shared>>
    tpu.enqueue_indirect_dma source(%dma_start3A_96 : memref<128xf32, #tpu.memory_space<vmem>>) target(%dma_start3A_101 : memref<10240xf32, #tpu.memory_space<vmem_shared>>) offsets(%dma_start3A_99 : memref<128xi32, #tpu.memory_space<vmem>>) semaphore(%arg20 : memref<!tpu.dma_semaphore, #tpu.memory_space<semaphore_mem>>) {add = true}
    %scan3A_102 = arith.constant 0 : i32
    %scan3A_103 = arith.constant 0 : i32
    %scan3A_104 = arith.constant 40 : i32
    %scan3A_105 = arith.addi %scan3A_103, %scan3A_104 : i32
    %scan3A_106 = arith.constant 1 : i32
    scf.for %scan3A_134 = %scan3A_103 to %scan3A_105 step %scan3A_106  : i32 {
      %mul3A_135 = arith.constant 2 : i32
      %mul3A_136 = arith.muli %mul3A_135, %scan3A_134 : i32
      %sub3A = arith.constant 1 : i32
      %sub3A_137 = arith.subi %mul3A_136, %sub3A : i32
      %max3A = arith.constant 0 : i32
      %max3A_138 = arith.maxsi %sub3A_137, %max3A : i32
      "tpu.region"() ({
        %run_scoped3A_436 = tpu.sem_alloc : memref<!tpu.dma_semaphore, #tpu.memory_space<semaphore_mem>>
        %dma_start3A_437 = arith.constant 0 : i32
        %dma_start3A_438 = tpu.memref_slice %arg8[%mul3A_136, %dma_start3A_437] : memref<80x128xi32, #tpu.memory_space<vmem>> -> memref<1x128xi32, #tpu.memory_space<vmem>>
        %dma_start3A_439 = tpu.memref_squeeze %dma_start3A_438 : memref<1x128xi32, #tpu.memory_space<vmem>> -> memref<128xi32, #tpu.memory_space<vmem>>
        %dma_start3A_440 = arith.constant 0 : i32
        %dma_start3A_441 = tpu.memref_slice %arg15[%dma_start3A_440] : memref<10000xf32, #tpu.memory_space<vmem_shared>> -> memref<10000xf32, #tpu.memory_space<vmem_shared>>
        tpu.enqueue_indirect_dma source(%dma_start3A_441 : memref<10000xf32, #tpu.memory_space<vmem_shared>>) target(%arg13 : memref<128xf32, #tpu.memory_space<vmem>>) offsets(%dma_start3A_439 : memref<128xi32, #tpu.memory_space<vmem>>) semaphore(%run_scoped3A_436 : memref<!tpu.dma_semaphore, #tpu.memory_space<semaphore_mem>>)
        %dma_wait3A_442 = arith.constant 0 : i32
        %dma_wait3A_443 = tpu.memref_slice %arg8[%mul3A_136, %dma_wait3A_442] : memref<80x128xi32, #tpu.memory_space<vmem>> -> memref<1x128xi32, #tpu.memory_space<vmem>>
        %dma_wait3A_444 = tpu.memref_squeeze %dma_wait3A_443 : memref<1x128xi32, #tpu.memory_space<vmem>> -> memref<128xi32, #tpu.memory_space<vmem>>
        %dma_wait3A_445 = arith.constant 0 : i32
        %dma_wait3A_446 = tpu.memref_slice %arg15[%dma_wait3A_445] : memref<10000xf32, #tpu.memory_space<vmem_shared>> -> memref<10000xf32, #tpu.memory_space<vmem_shared>>
        tpu.wait_indirect_dma semaphore(%run_scoped3A_436 : memref<!tpu.dma_semaphore, #tpu.memory_space<semaphore_mem>>) src(%dma_wait3A_446 : memref<10000xf32, #tpu.memory_space<vmem_shared>>) dst(%arg13 : memref<128xf32, #tpu.memory_space<vmem>>)
        tpu.yield
      }) : () -> ()
      "tpu.region"() ({
        %run_scoped3A_436 = tpu.sem_alloc : memref<!tpu.dma_semaphore, #tpu.memory_space<semaphore_mem>>
        %dma_start3A_437 = arith.constant 0 : i32
        %dma_start3A_438 = tpu.memref_slice %arg9[%mul3A_136, %dma_start3A_437] : memref<80x128xi32, #tpu.memory_space<vmem>> -> memref<1x128xi32, #tpu.memory_space<vmem>>
        %dma_start3A_439 = tpu.memref_squeeze %dma_start3A_438 : memref<1x128xi32, #tpu.memory_space<vmem>> -> memref<128xi32, #tpu.memory_space<vmem>>
        %dma_start3A_440 = arith.constant 0 : i32
        %dma_start3A_441 = tpu.memref_slice %arg16[%dma_start3A_440] : memref<10000xf32, #tpu.memory_space<vmem_shared>> -> memref<10000xf32, #tpu.memory_space<vmem_shared>>
        tpu.enqueue_indirect_dma source(%dma_start3A_441 : memref<10000xf32, #tpu.memory_space<vmem_shared>>) target(%arg14 : memref<128xf32, #tpu.memory_space<vmem>>) offsets(%dma_start3A_439 : memref<128xi32, #tpu.memory_space<vmem>>) semaphore(%run_scoped3A_436 : memref<!tpu.dma_semaphore, #tpu.memory_space<semaphore_mem>>)
        %dma_wait3A_442 = arith.constant 0 : i32
        %dma_wait3A_443 = tpu.memref_slice %arg9[%mul3A_136, %dma_wait3A_442] : memref<80x128xi32, #tpu.memory_space<vmem>> -> memref<1x128xi32, #tpu.memory_space<vmem>>
        %dma_wait3A_444 = tpu.memref_squeeze %dma_wait3A_443 : memref<1x128xi32, #tpu.memory_space<vmem>> -> memref<128xi32, #tpu.memory_space<vmem>>
        %dma_wait3A_445 = arith.constant 0 : i32
        %dma_wait3A_446 = tpu.memref_slice %arg16[%dma_wait3A_445] : memref<10000xf32, #tpu.memory_space<vmem_shared>> -> memref<10000xf32, #tpu.memory_space<vmem_shared>>
        tpu.wait_indirect_dma semaphore(%run_scoped3A_436 : memref<!tpu.dma_semaphore, #tpu.memory_space<semaphore_mem>>) src(%dma_wait3A_446 : memref<10000xf32, #tpu.memory_space<vmem_shared>>) dst(%arg14 : memref<128xf32, #tpu.memory_space<vmem>>)
        tpu.yield
      }) : () -> ()
      %get3A = arith.constant 0 : index
      %get3A_139 = tpu.vector_load %arg13[%get3A] {strides = array<i32>} : memref<128xf32, #tpu.memory_space<vmem>>, vector<16xf32>,
      %get3A_140 = arith.constant 0 : index
      %get3A_141 = tpu.vector_load %arg14[%get3A_140] {strides = array<i32>} : memref<128xf32, #tpu.memory_space<vmem>>, vector<16xf32>,
      %add3A_142 = arith.addf %get3A_139, %get3A_141 : vector<16xf32>
      %ge3A = arith.constant 0.000000e+00 : f32
      %ge3A_143 = vector.broadcast %ge3A : f32 to vector<16xf32>
      %ge3A_144 = arith.cmpf oge, %add3A_142, %ge3A_143 : vector<16xf32>
      %mul3A_145 = arith.constant 0.00999999977 : f32
      %mul3A_146 = vector.broadcast %mul3A_145 : f32 to vector<16xf32>
      %mul3A_147 = arith.mulf %mul3A_146, %add3A_142 : vector<16xf32>
      %select_n3A = arith.select %ge3A_144, %add3A_142, %mul3A_147 : vector<16xi1>, vector<16xf32>
      %exp3A = math.exp %select_n3A : vector<16xf32>
      %swap3A_148 = arith.constant 0 : index
      %swap3A_149 = tpu.vector_load %arg11[%swap3A_148] {strides = array<i32>} : memref<144xf32, #tpu.memory_space<vmem>>, vector<16xf32>,
      tpu.vector_store %arg11[%swap3A_148], %exp3A {strides = array<i32>} : memref<144xf32, #tpu.memory_space<vmem>>, vector<16xf32>,
      %get3A_150 = arith.constant 16 : index
      %get3A_151 = tpu.vector_load %arg13[%get3A_150] {strides = array<i32>} : memref<128xf32, #tpu.memory_space<vmem>>, vector<16xf32>,
      %get3A_152 = arith.constant 16 : index
      %get3A_153 = tpu.vector_load %arg14[%get3A_152] {strides = array<i32>} : memref<128xf32, #tpu.memory_space<vmem>>, vector<16xf32>,
      %add3A_154 = arith.addf %get3A_151, %get3A_153 : vector<16xf32>
      %ge3A_155 = arith.constant 0.000000e+00 : f32
      %ge3A_156 = vector.broadcast %ge3A_155 : f32 to vector<16xf32>
      %ge3A_157 = arith.cmpf oge, %add3A_154, %ge3A_156 : vector<16xf32>
      %mul3A_158 = arith.constant 0.00999999977 : f32
      %mul3A_159 = vector.broadcast %mul3A_158 : f32 to vector<16xf32>
      %mul3A_160 = arith.mulf %mul3A_159, %add3A_154 : vector<16xf32>
      %select_n3A_161 = arith.select %ge3A_157, %add3A_154, %mul3A_160 : vector<16xi1>, vector<16xf32>
      %exp3A_162 = math.exp %select_n3A_161 : vector<16xf32>
      %swap3A_163 = arith.constant 16 : index
      %swap3A_164 = tpu.vector_load %arg11[%swap3A_163] {strides = array<i32>} : memref<144xf32, #tpu.memory_space<vmem>>, vector<16xf32>,
      tpu.vector_store %arg11[%swap3A_163], %exp3A_162 {strides = array<i32>} : memref<144xf32, #tpu.memory_space<vmem>>, vector<16xf32>,
      %get3A_165 = arith.constant 32 : index
      %get3A_166 = tpu.vector_load %arg13[%get3A_165] {strides = array<i32>} : memref<128xf32, #tpu.memory_space<vmem>>, vector<16xf32>,
      %get3A_167 = arith.constant 32 : index
      %get3A_168 = tpu.vector_load %arg14[%get3A_167] {strides = array<i32>} : memref<128xf32, #tpu.memory_space<vmem>>, vector<16xf32>,
      %add3A_169 = arith.addf %get3A_166, %get3A_168 : vector<16xf32>
      %ge3A_170 = arith.constant 0.000000e+00 : f32
      %ge3A_171 = vector.broadcast %ge3A_170 : f32 to vector<16xf32>
      %ge3A_172 = arith.cmpf oge, %add3A_169, %ge3A_171 : vector<16xf32>
      %mul3A_173 = arith.constant 0.00999999977 : f32
      %mul3A_174 = vector.broadcast %mul3A_173 : f32 to vector<16xf32>
      %mul3A_175 = arith.mulf %mul3A_174, %add3A_169 : vector<16xf32>
      %select_n3A_176 = arith.select %ge3A_172, %add3A_169, %mul3A_175 : vector<16xi1>, vector<16xf32>
      %exp3A_177 = math.exp %select_n3A_176 : vector<16xf32>
      %swap3A_178 = arith.constant 32 : index
      %swap3A_179 = tpu.vector_load %arg11[%swap3A_178] {strides = array<i32>} : memref<144xf32, #tpu.memory_space<vmem>>, vector<16xf32>,
      tpu.vector_store %arg11[%swap3A_178], %exp3A_177 {strides = array<i32>} : memref<144xf32, #tpu.memory_space<vmem>>, vector<16xf32>,
      %get3A_180 = arith.constant 48 : index
      %get3A_181 = tpu.vector_load %arg13[%get3A_180] {strides = array<i32>} : memref<128xf32, #tpu.memory_space<vmem>>, vector<16xf32>,
      %get3A_182 = arith.constant 48 : index
      %get3A_183 = tpu.vector_load %arg14[%get3A_182] {strides = array<i32>} : memref<128xf32, #tpu.memory_space<vmem>>, vector<16xf32>,
      %add3A_184 = arith.addf %get3A_181, %get3A_183 : vector<16xf32>
      %ge3A_185 = arith.constant 0.000000e+00 : f32
      %ge3A_186 = vector.broadcast %ge3A_185 : f32 to vector<16xf32>
      %ge3A_187 = arith.cmpf oge, %add3A_184, %ge3A_186 : vector<16xf32>
      %mul3A_188 = arith.constant 0.00999999977 : f32
      %mul3A_189 = vector.broadcast %mul3A_188 : f32 to vector<16xf32>
      %mul3A_190 = arith.mulf %mul3A_189, %add3A_184 : vector<16xf32>
      %select_n3A_191 = arith.select %ge3A_187, %add3A_184, %mul3A_190 : vector<16xi1>, vector<16xf32>
      %exp3A_192 = math.exp %select_n3A_191 : vector<16xf32>
      %swap3A_193 = arith.constant 48 : index
      %swap3A_194 = tpu.vector_load %arg11[%swap3A_193] {strides = array<i32>} : memref<144xf32, #tpu.memory_space<vmem>>, vector<16xf32>,
      tpu.vector_store %arg11[%swap3A_193], %exp3A_192 {strides = array<i32>} : memref<144xf32, #tpu.memory_space<vmem>>, vector<16xf32>,
      %get3A_195 = arith.constant 64 : index
      %get3A_196 = tpu.vector_load %arg13[%get3A_195] {strides = array<i32>} : memref<128xf32, #tpu.memory_space<vmem>>, vector<16xf32>,
      %get3A_197 = arith.constant 64 : index
      %get3A_198 = tpu.vector_load %arg14[%get3A_197] {strides = array<i32>} : memref<128xf32, #tpu.memory_space<vmem>>, vector<16xf32>,
      %add3A_199 = arith.addf %get3A_196, %get3A_198 : vector<16xf32>
      %ge3A_200 = arith.constant 0.000000e+00 : f32
      %ge3A_201 = vector.broadcast %ge3A_200 : f32 to vector<16xf32>
      %ge3A_202 = arith.cmpf oge, %add3A_199, %ge3A_201 : vector<16xf32>
      %mul3A_203 = arith.constant 0.00999999977 : f32
      %mul3A_204 = vector.broadcast %mul3A_203 : f32 to vector<16xf32>
      %mul3A_205 = arith.mulf %mul3A_204, %add3A_199 : vector<16xf32>
      %select_n3A_206 = arith.select %ge3A_202, %add3A_199, %mul3A_205 : vector<16xi1>, vector<16xf32>
      %exp3A_207 = math.exp %select_n3A_206 : vector<16xf32>
      %swap3A_208 = arith.constant 64 : index
      %swap3A_209 = tpu.vector_load %arg11[%swap3A_208] {strides = array<i32>} : memref<144xf32, #tpu.memory_space<vmem>>, vector<16xf32>,
      tpu.vector_store %arg11[%swap3A_208], %exp3A_207 {strides = array<i32>} : memref<144xf32, #tpu.memory_space<vmem>>, vector<16xf32>,
      %get3A_210 = arith.constant 80 : index
      %get3A_211 = tpu.vector_load %arg13[%get3A_210] {strides = array<i32>} : memref<128xf32, #tpu.memory_space<vmem>>, vector<16xf32>,
      %get3A_212 = arith.constant 80 : index
      %get3A_213 = tpu.vector_load %arg14[%get3A_212] {strides = array<i32>} : memref<128xf32, #tpu.memory_space<vmem>>, vector<16xf32>,
      %add3A_214 = arith.addf %get3A_211, %get3A_213 : vector<16xf32>
      %ge3A_215 = arith.constant 0.000000e+00 : f32
      %ge3A_216 = vector.broadcast %ge3A_215 : f32 to vector<16xf32>
      %ge3A_217 = arith.cmpf oge, %add3A_214, %ge3A_216 : vector<16xf32>
      %mul3A_218 = arith.constant 0.00999999977 : f32
      %mul3A_219 = vector.broadcast %mul3A_218 : f32 to vector<16xf32>
      %mul3A_220 = arith.mulf %mul3A_219, %add3A_214 : vector<16xf32>
      %select_n3A_221 = arith.select %ge3A_217, %add3A_214, %mul3A_220 : vector<16xi1>, vector<16xf32>
      %exp3A_222 = math.exp %select_n3A_221 : vector<16xf32>
      %swap3A_223 = arith.constant 80 : index
      %swap3A_224 = tpu.vector_load %arg11[%swap3A_223] {strides = array<i32>} : memref<144xf32, #tpu.memory_space<vmem>>, vector<16xf32>,
      tpu.vector_store %arg11[%swap3A_223], %exp3A_222 {strides = array<i32>} : memref<144xf32, #tpu.memory_space<vmem>>, vector<16xf32>,
      %get3A_225 = arith.constant 96 : index
      %get3A_226 = tpu.vector_load %arg13[%get3A_225] {strides = array<i32>} : memref<128xf32, #tpu.memory_space<vmem>>, vector<16xf32>,
      %get3A_227 = arith.constant 96 : index
      %get3A_228 = tpu.vector_load %arg14[%get3A_227] {strides = array<i32>} : memref<128xf32, #tpu.memory_space<vmem>>, vector<16xf32>,
      %add3A_229 = arith.addf %get3A_226, %get3A_228 : vector<16xf32>
      %ge3A_230 = arith.constant 0.000000e+00 : f32
      %ge3A_231 = vector.broadcast %ge3A_230 : f32 to vector<16xf32>
      %ge3A_232 = arith.cmpf oge, %add3A_229, %ge3A_231 : vector<16xf32>
      %mul3A_233 = arith.constant 0.00999999977 : f32
      %mul3A_234 = vector.broadcast %mul3A_233 : f32 to vector<16xf32>
      %mul3A_235 = arith.mulf %mul3A_234, %add3A_229 : vector<16xf32>
      %select_n3A_236 = arith.select %ge3A_232, %add3A_229, %mul3A_235 : vector<16xi1>, vector<16xf32>
      %exp3A_237 = math.exp %select_n3A_236 : vector<16xf32>
      %swap3A_238 = arith.constant 96 : index
      %swap3A_239 = tpu.vector_load %arg11[%swap3A_238] {strides = array<i32>} : memref<144xf32, #tpu.memory_space<vmem>>, vector<16xf32>,
      tpu.vector_store %arg11[%swap3A_238], %exp3A_237 {strides = array<i32>} : memref<144xf32, #tpu.memory_space<vmem>>, vector<16xf32>,
      %get3A_240 = arith.constant 112 : index
      %get3A_241 = tpu.vector_load %arg13[%get3A_240] {strides = array<i32>} : memref<128xf32, #tpu.memory_space<vmem>>, vector<16xf32>,
      %get3A_242 = arith.constant 112 : index
      %get3A_243 = tpu.vector_load %arg14[%get3A_242] {strides = array<i32>} : memref<128xf32, #tpu.memory_space<vmem>>, vector<16xf32>,
      %add3A_244 = arith.addf %get3A_241, %get3A_243 : vector<16xf32>
      %ge3A_245 = arith.constant 0.000000e+00 : f32
      %ge3A_246 = vector.broadcast %ge3A_245 : f32 to vector<16xf32>
      %ge3A_247 = arith.cmpf oge, %add3A_244, %ge3A_246 : vector<16xf32>
      %mul3A_248 = arith.constant 0.00999999977 : f32
      %mul3A_249 = vector.broadcast %mul3A_248 : f32 to vector<16xf32>
      %mul3A_250 = arith.mulf %mul3A_249, %add3A_244 : vector<16xf32>
      %select_n3A_251 = arith.select %ge3A_247, %add3A_244, %mul3A_250 : vector<16xi1>, vector<16xf32>
      %exp3A_252 = math.exp %select_n3A_251 : vector<16xf32>
      %swap3A_253 = arith.constant 112 : index
      %swap3A_254 = tpu.vector_load %arg11[%swap3A_253] {strides = array<i32>} : memref<144xf32, #tpu.memory_space<vmem>>, vector<16xf32>,
      tpu.vector_store %arg11[%swap3A_253], %exp3A_252 {strides = array<i32>} : memref<144xf32, #tpu.memory_space<vmem>>, vector<16xf32>,
      %dma_wait3A_255 = arith.constant 0 : i32
      %dma_wait3A_256 = tpu.memref_slice %arg9[%max3A_138, %dma_wait3A_255] : memref<80x128xi32, #tpu.memory_space<vmem>> -> memref<1x128xi32, #tpu.memory_space<vmem>>
      %dma_wait3A_257 = tpu.memref_squeeze %dma_wait3A_256 : memref<1x128xi32, #tpu.memory_space<vmem>> -> memref<128xi32, #tpu.memory_space<vmem>>
      %dma_wait3A_258 = arith.constant 0 : i32
      %dma_wait3A_259 = arith.constant 0 : i32
      %dma_wait3A_260 = tpu.memref_slice %arg17[%dma_wait3A_258, %dma_wait3A_259] : memref<10240x128xf32, #tpu.memory_space<vmem_shared>> -> memref<10240x128xf32, #tpu.memory_space<vmem_shared>>
      tpu.wait_indirect_dma semaphore(%arg20 : memref<!tpu.dma_semaphore, #tpu.memory_space<semaphore_mem>>) src(%arg10 : memref<128x128xf32, #tpu.memory_space<vmem>>) dst(%dma_wait3A_260 : memref<10240x128xf32, #tpu.memory_space<vmem_shared>>)
      %dma_wait3A_261 = arith.constant 0 : i32
      %dma_wait3A_262 = tpu.memref_slice %arg12[%dma_wait3A_261] : memref<144xf32, #tpu.memory_space<vmem>> -> memref<128xf32, #tpu.memory_space<vmem>>
      %dma_wait3A_263 = arith.constant 0 : i32
      %dma_wait3A_264 = tpu.memref_slice %arg9[%max3A_138, %dma_wait3A_263] : memref<80x128xi32, #tpu.memory_space<vmem>> -> memref<1x128xi32, #tpu.memory_space<vmem>>
      %dma_wait3A_265 = tpu.memref_squeeze %dma_wait3A_264 : memref<1x128xi32, #tpu.memory_space<vmem>> -> memref<128xi32, #tpu.memory_space<vmem>>
      %dma_wait3A_266 = arith.constant 0 : i32
      %dma_wait3A_267 = tpu.memref_slice %arg18[%dma_wait3A_266] : memref<10240xf32, #tpu.memory_space<vmem_shared>> -> memref<10240xf32, #tpu.memory_space<vmem_shared>>
      tpu.wait_indirect_dma semaphore(%arg20 : memref<!tpu.dma_semaphore, #tpu.memory_space<semaphore_mem>>) src(%dma_wait3A_262 : memref<128xf32, #tpu.memory_space<vmem>>) dst(%dma_wait3A_267 : memref<10240xf32, #tpu.memory_space<vmem_shared>>)
      "tpu.region"() ({
        %run_scoped3A_436 = tpu.sem_alloc : memref<!tpu.dma_semaphore, #tpu.memory_space<semaphore_mem>>
        %dma_start3A_437 = arith.constant 0 : i32
        %dma_start3A_438 = tpu.memref_slice %arg8[%mul3A_136, %dma_start3A_437] : memref<80x128xi32, #tpu.memory_space<vmem>> -> memref<1x128xi32, #tpu.memory_space<vmem>>
        %dma_start3A_439 = tpu.memref_squeeze %dma_start3A_438 : memref<1x128xi32, #tpu.memory_space<vmem>> -> memref<128xi32, #tpu.memory_space<vmem>>
        %dma_start3A_440 = arith.constant 0 : i32
        %dma_start3A_441 = arith.constant 0 : i32
        %dma_start3A_442 = tpu.memref_slice %arg5[%dma_start3A_440, %dma_start3A_441] : memref<10000x128xf32, #tpu.memory_space<hbm>> -> memref<10000x128xf32, #tpu.memory_space<hbm>>
        tpu.enqueue_indirect_dma source(%dma_start3A_442 : memref<10000x128xf32, #tpu.memory_space<hbm>>) target(%arg10 : memref<128x128xf32, #tpu.memory_space<vmem>>) offsets(%dma_start3A_439 : memref<128xi32, #tpu.memory_space<vmem>>) semaphore(%run_scoped3A_436 : memref<!tpu.dma_semaphore, #tpu.memory_space<semaphore_mem>>)
        %dma_wait3A_443 = arith.constant 0 : i32
        %dma_wait3A_444 = tpu.memref_slice %arg8[%mul3A_136, %dma_wait3A_443] : memref<80x128xi32, #tpu.memory_space<vmem>> -> memref<1x128xi32, #tpu.memory_space<vmem>>
        %dma_wait3A_445 = tpu.memref_squeeze %dma_wait3A_444 : memref<1x128xi32, #tpu.memory_space<vmem>> -> memref<128xi32, #tpu.memory_space<vmem>>
        %dma_wait3A_446 = arith.constant 0 : i32
        %dma_wait3A_447 = arith.constant 0 : i32
        %dma_wait3A_448 = tpu.memref_slice %arg5[%dma_wait3A_446, %dma_wait3A_447] : memref<10000x128xf32, #tpu.memory_space<hbm>> -> memref<10000x128xf32, #tpu.memory_space<hbm>>
        tpu.wait_indirect_dma semaphore(%run_scoped3A_436 : memref<!tpu.dma_semaphore, #tpu.memory_space<semaphore_mem>>) src(%dma_wait3A_448 : memref<10000x128xf32, #tpu.memory_space<hbm>>) dst(%arg10 : memref<128x128xf32, #tpu.memory_space<vmem>>)
        tpu.yield
      }) : () -> ()
      %parallel_loop3A = arith.constant 0 : i32
      %parallel_loop3A_268 = arith.constant 128 : i32
      %parallel_loop3A_269 = arith.constant 1 : i32
      scf.for %parallel_loop3A_436 = %parallel_loop3A to %parallel_loop3A_268 step %parallel_loop3A_269  : i32 {
        %parallel_loop3A_437 = arith.index_cast %parallel_loop3A_436 : i32 to index
        %parallel_loop3A_438 = tpu.vector_load %arg11[%parallel_loop3A_437] {strides = array<i32>} : memref<144xf32, #tpu.memory_space<vmem>>, vector<16xf32>,
        %parallel_loop3A_439 = vector.extract_strided_slice %parallel_loop3A_438 {offsets = [0], sizes = [1], strides = [1]} : vector<16xf32> to vector<1xf32>
        %parallel_loop3A_440 = vector.extract %parallel_loop3A_439[0] : f32 from vector<1xf32>
        %parallel_loop3A_441 = arith.index_cast %parallel_loop3A_436 : i32 to index
        %parallel_loop3A_442 = arith.constant 0 : index
        %parallel_loop3A_443 = tpu.vector_load %arg10[%parallel_loop3A_441, %parallel_loop3A_442] {strides = array<i32>} : memref<128x128xf32, #tpu.memory_space<vmem>>, vector<16xf32>,
        %parallel_loop3A_444 = vector.broadcast %parallel_loop3A_440 : f32 to vector<16xf32>
        %parallel_loop3A_445 = arith.mulf %parallel_loop3A_443, %parallel_loop3A_444 : vector<16xf32>
        %parallel_loop3A_446 = arith.index_cast %parallel_loop3A_436 : i32 to index
        %parallel_loop3A_447 = arith.constant 0 : index
        %parallel_loop3A_448 = tpu.vector_load %arg10[%parallel_loop3A_446, %parallel_loop3A_447] {strides = array<i32>} : memref<128x128xf32, #tpu.memory_space<vmem>>, vector<16xf32>,
        tpu.vector_store %arg10[%parallel_loop3A_446, %parallel_loop3A_447], %parallel_loop3A_445 {strides = array<i32>} : memref<128x128xf32, #tpu.memory_space<vmem>>, vector<16xf32>,
        %parallel_loop3A_449 = arith.index_cast %parallel_loop3A_436 : i32 to index
        %parallel_loop3A_450 = arith.constant 16 : index
        %parallel_loop3A_451 = tpu.vector_load %arg10[%parallel_loop3A_449, %parallel_loop3A_450] {strides = array<i32>} : memref<128x128xf32, #tpu.memory_space<vmem>>, vector<16xf32>,
        %parallel_loop3A_452 = vector.broadcast %parallel_loop3A_440 : f32 to vector<16xf32>
        %parallel_loop3A_453 = arith.mulf %parallel_loop3A_451, %parallel_loop3A_452 : vector<16xf32>
        %parallel_loop3A_454 = arith.index_cast %parallel_loop3A_436 : i32 to index
        %parallel_loop3A_455 = arith.constant 16 : index
        %parallel_loop3A_456 = tpu.vector_load %arg10[%parallel_loop3A_454, %parallel_loop3A_455] {strides = array<i32>} : memref<128x128xf32, #tpu.memory_space<vmem>>, vector<16xf32>,
        tpu.vector_store %arg10[%parallel_loop3A_454, %parallel_loop3A_455], %parallel_loop3A_453 {strides = array<i32>} : memref<128x128xf32, #tpu.memory_space<vmem>>, vector<16xf32>,
        %parallel_loop3A_457 = arith.index_cast %parallel_loop3A_436 : i32 to index
        %parallel_loop3A_458 = arith.constant 32 : index
        %parallel_loop3A_459 = tpu.vector_load %arg10[%parallel_loop3A_457, %parallel_loop3A_458] {strides = array<i32>} : memref<128x128xf32, #tpu.memory_space<vmem>>, vector<16xf32>,
        %parallel_loop3A_460 = vector.broadcast %parallel_loop3A_440 : f32 to vector<16xf32>
        %parallel_loop3A_461 = arith.mulf %parallel_loop3A_459, %parallel_loop3A_460 : vector<16xf32>
        %parallel_loop3A_462 = arith.index_cast %parallel_loop3A_436 : i32 to index
        %parallel_loop3A_463 = arith.constant 32 : index
        %parallel_loop3A_464 = tpu.vector_load %arg10[%parallel_loop3A_462, %parallel_loop3A_463] {strides = array<i32>} : memref<128x128xf32, #tpu.memory_space<vmem>>, vector<16xf32>,
        tpu.vector_store %arg10[%parallel_loop3A_462, %parallel_loop3A_463], %parallel_loop3A_461 {strides = array<i32>} : memref<128x128xf32, #tpu.memory_space<vmem>>, vector<16xf32>,
        %parallel_loop3A_465 = arith.index_cast %parallel_loop3A_436 : i32 to index
        %parallel_loop3A_466 = arith.constant 48 : index
        %parallel_loop3A_467 = tpu.vector_load %arg10[%parallel_loop3A_465, %parallel_loop3A_466] {strides = array<i32>} : memref<128x128xf32, #tpu.memory_space<vmem>>, vector<16xf32>,
        %parallel_loop3A_468 = vector.broadcast %parallel_loop3A_440 : f32 to vector<16xf32>
        %parallel_loop3A_469 = arith.mulf %parallel_loop3A_467, %parallel_loop3A_468 : vector<16xf32>
        %parallel_loop3A_470 = arith.index_cast %parallel_loop3A_436 : i32 to index
        %parallel_loop3A_471 = arith.constant 48 : index
        %parallel_loop3A_472 = tpu.vector_load %arg10[%parallel_loop3A_470, %parallel_loop3A_471] {strides = array<i32>} : memref<128x128xf32, #tpu.memory_space<vmem>>, vector<16xf32>,
        tpu.vector_store %arg10[%parallel_loop3A_470, %parallel_loop3A_471], %parallel_loop3A_469 {strides = array<i32>} : memref<128x128xf32, #tpu.memory_space<vmem>>, vector<16xf32>,
        %parallel_loop3A_473 = arith.index_cast %parallel_loop3A_436 : i32 to index
        %parallel_loop3A_474 = arith.constant 64 : index
        %parallel_loop3A_475 = tpu.vector_load %arg10[%parallel_loop3A_473, %parallel_loop3A_474] {strides = array<i32>} : memref<128x128xf32, #tpu.memory_space<vmem>>, vector<16xf32>,
        %parallel_loop3A_476 = vector.broadcast %parallel_loop3A_440 : f32 to vector<16xf32>
        %parallel_loop3A_477 = arith.mulf %parallel_loop3A_475, %parallel_loop3A_476 : vector<16xf32>
        %parallel_loop3A_478 = arith.index_cast %parallel_loop3A_436 : i32 to index
        %parallel_loop3A_479 = arith.constant 64 : index
        %parallel_loop3A_480 = tpu.vector_load %arg10[%parallel_loop3A_478, %parallel_loop3A_479] {strides = array<i32>} : memref<128x128xf32, #tpu.memory_space<vmem>>, vector<16xf32>,
        tpu.vector_store %arg10[%parallel_loop3A_478, %parallel_loop3A_479], %parallel_loop3A_477 {strides = array<i32>} : memref<128x128xf32, #tpu.memory_space<vmem>>, vector<16xf32>,
        %parallel_loop3A_481 = arith.index_cast %parallel_loop3A_436 : i32 to index
        %parallel_loop3A_482 = arith.constant 80 : index
        %parallel_loop3A_483 = tpu.vector_load %arg10[%parallel_loop3A_481, %parallel_loop3A_482] {strides = array<i32>} : memref<128x128xf32, #tpu.memory_space<vmem>>, vector<16xf32>,
        %parallel_loop3A_484 = vector.broadcast %parallel_loop3A_440 : f32 to vector<16xf32>
        %parallel_loop3A_485 = arith.mulf %parallel_loop3A_483, %parallel_loop3A_484 : vector<16xf32>
        %parallel_loop3A_486 = arith.index_cast %parallel_loop3A_436 : i32 to index
        %parallel_loop3A_487 = arith.constant 80 : index
        %parallel_loop3A_488 = tpu.vector_load %arg10[%parallel_loop3A_486, %parallel_loop3A_487] {strides = array<i32>} : memref<128x128xf32, #tpu.memory_space<vmem>>, vector<16xf32>,
        tpu.vector_store %arg10[%parallel_loop3A_486, %parallel_loop3A_487], %parallel_loop3A_485 {strides = array<i32>} : memref<128x128xf32, #tpu.memory_space<vmem>>, vector<16xf32>,
        %parallel_loop3A_489 = arith.index_cast %parallel_loop3A_436 : i32 to index
        %parallel_loop3A_490 = arith.constant 96 : index
        %parallel_loop3A_491 = tpu.vector_load %arg10[%parallel_loop3A_489, %parallel_loop3A_490] {strides = array<i32>} : memref<128x128xf32, #tpu.memory_space<vmem>>, vector<16xf32>,
        %parallel_loop3A_492 = vector.broadcast %parallel_loop3A_440 : f32 to vector<16xf32>
        %parallel_loop3A_493 = arith.mulf %parallel_loop3A_491, %parallel_loop3A_492 : vector<16xf32>
        %parallel_loop3A_494 = arith.index_cast %parallel_loop3A_436 : i32 to index
        %parallel_loop3A_495 = arith.constant 96 : index
        %parallel_loop3A_496 = tpu.vector_load %arg10[%parallel_loop3A_494, %parallel_loop3A_495] {strides = array<i32>} : memref<128x128xf32, #tpu.memory_space<vmem>>, vector<16xf32>,
        tpu.vector_store %arg10[%parallel_loop3A_494, %parallel_loop3A_495], %parallel_loop3A_493 {strides = array<i32>} : memref<128x128xf32, #tpu.memory_space<vmem>>, vector<16xf32>,
        %parallel_loop3A_497 = arith.index_cast %parallel_loop3A_436 : i32 to index
        %parallel_loop3A_498 = arith.constant 112 : index
        %parallel_loop3A_499 = tpu.vector_load %arg10[%parallel_loop3A_497, %parallel_loop3A_498] {strides = array<i32>} : memref<128x128xf32, #tpu.memory_space<vmem>>, vector<16xf32>,
        %parallel_loop3A_500 = vector.broadcast %parallel_loop3A_440 : f32 to vector<16xf32>
        %parallel_loop3A_501 = arith.mulf %parallel_loop3A_499, %parallel_loop3A_500 : vector<16xf32>
        %parallel_loop3A_502 = arith.index_cast %parallel_loop3A_436 : i32 to index
        %parallel_loop3A_503 = arith.constant 112 : index
        %parallel_loop3A_504 = tpu.vector_load %arg10[%parallel_loop3A_502, %parallel_loop3A_503] {strides = array<i32>} : memref<128x128xf32, #tpu.memory_space<vmem>>, vector<16xf32>,
        tpu.vector_store %arg10[%parallel_loop3A_502, %parallel_loop3A_503], %parallel_loop3A_501 {strides = array<i32>} : memref<128x128xf32, #tpu.memory_space<vmem>>, vector<16xf32>,
      } {sc.loop_unroll_factor = 8 : i64, sc.parallel_access}
      %dma_start3A_270 = arith.constant 0 : i32
      %dma_start3A_271 = tpu.memref_slice %arg9[%mul3A_136, %dma_start3A_270] : memref<80x128xi32, #tpu.memory_space<vmem>> -> memref<1x128xi32, #tpu.memory_space<vmem>>
      %dma_start3A_272 = tpu.memref_squeeze %dma_start3A_271 : memref<1x128xi32, #tpu.memory_space<vmem>> -> memref<128xi32, #tpu.memory_space<vmem>>
      %dma_start3A_273 = arith.constant 0 : i32
      %dma_start3A_274 = arith.constant 0 : i32
      %dma_start3A_275 = tpu.memref_slice %arg17[%dma_start3A_273, %dma_start3A_274] : memref<10240x128xf32, #tpu.memory_space<vmem_shared>> -> memref<10240x128xf32, #tpu.memory_space<vmem_shared>>
      tpu.enqueue_indirect_dma source(%arg10 : memref<128x128xf32, #tpu.memory_space<vmem>>) target(%dma_start3A_275 : memref<10240x128xf32, #tpu.memory_space<vmem_shared>>) offsets(%dma_start3A_272 : memref<128xi32, #tpu.memory_space<vmem>>) semaphore(%arg19 : memref<!tpu.dma_semaphore, #tpu.memory_space<semaphore_mem>>) {add = true}
      %dma_start3A_276 = arith.constant 0 : i32
      %dma_start3A_277 = tpu.memref_slice %arg11[%dma_start3A_276] : memref<144xf32, #tpu.memory_space<vmem>> -> memref<128xf32, #tpu.memory_space<vmem>>
      %dma_start3A_278 = arith.constant 0 : i32
      %dma_start3A_279 = tpu.memref_slice %arg9[%mul3A_136, %dma_start3A_278] : memref<80x128xi32, #tpu.memory_space<vmem>> -> memref<1x128xi32, #tpu.memory_space<vmem>>
      %dma_start3A_280 = tpu.memref_squeeze %dma_start3A_279 : memref<1x128xi32, #tpu.memory_space<vmem>> -> memref<128xi32, #tpu.memory_space<vmem>>
      %dma_start3A_281 = arith.constant 0 : i32
      %dma_start3A_282 = tpu.memref_slice %arg18[%dma_start3A_281] : memref<10240xf32, #tpu.memory_space<vmem_shared>> -> memref<10240xf32, #tpu.memory_space<vmem_shared>>
      tpu.enqueue_indirect_dma source(%dma_start3A_277 : memref<128xf32, #tpu.memory_space<vmem>>) target(%dma_start3A_282 : memref<10240xf32, #tpu.memory_space<vmem_shared>>) offsets(%dma_start3A_280 : memref<128xi32, #tpu.memory_space<vmem>>) semaphore(%arg19 : memref<!tpu.dma_semaphore, #tpu.memory_space<semaphore_mem>>) {add = true}
      %add3A_283 = arith.constant 1 : i32
      %add3A_284 = arith.addi %mul3A_136, %add3A_283 : i32
      "tpu.region"() ({
        %run_scoped3A_436 = tpu.sem_alloc : memref<!tpu.dma_semaphore, #tpu.memory_space<semaphore_mem>>
        %dma_start3A_437 = arith.constant 0 : i32
        %dma_start3A_438 = tpu.memref_slice %arg8[%add3A_284, %dma_start3A_437] : memref<80x128xi32, #tpu.memory_space<vmem>> -> memref<1x128xi32, #tpu.memory_space<vmem>>
        %dma_start3A_439 = tpu.memref_squeeze %dma_start3A_438 : memref<1x128xi32, #tpu.memory_space<vmem>> -> memref<128xi32, #tpu.memory_space<vmem>>
        %dma_start3A_440 = arith.constant 0 : i32
        %dma_start3A_441 = tpu.memref_slice %arg15[%dma_start3A_440] : memref<10000xf32, #tpu.memory_space<vmem_shared>> -> memref<10000xf32, #tpu.memory_space<vmem_shared>>
        tpu.enqueue_indirect_dma source(%dma_start3A_441 : memref<10000xf32, #tpu.memory_space<vmem_shared>>) target(%arg13 : memref<128xf32, #tpu.memory_space<vmem>>) offsets(%dma_start3A_439 : memref<128xi32, #tpu.memory_space<vmem>>) semaphore(%run_scoped3A_436 : memref<!tpu.dma_semaphore, #tpu.memory_space<semaphore_mem>>)
        %dma_wait3A_442 = arith.constant 0 : i32
        %dma_wait3A_443 = tpu.memref_slice %arg8[%add3A_284, %dma_wait3A_442] : memref<80x128xi32, #tpu.memory_space<vmem>> -> memref<1x128xi32, #tpu.memory_space<vmem>>
        %dma_wait3A_444 = tpu.memref_squeeze %dma_wait3A_443 : memref<1x128xi32, #tpu.memory_space<vmem>> -> memref<128xi32, #tpu.memory_space<vmem>>
        %dma_wait3A_445 = arith.constant 0 : i32
        %dma_wait3A_446 = tpu.memref_slice %arg15[%dma_wait3A_445] : memref<10000xf32, #tpu.memory_space<vmem_shared>> -> memref<10000xf32, #tpu.memory_space<vmem_shared>>
        tpu.wait_indirect_dma semaphore(%run_scoped3A_436 : memref<!tpu.dma_semaphore, #tpu.memory_space<semaphore_mem>>) src(%dma_wait3A_446 : memref<10000xf32, #tpu.memory_space<vmem_shared>>) dst(%arg13 : memref<128xf32, #tpu.memory_space<vmem>>)
        tpu.yield
      }) : () -> ()
      "tpu.region"() ({
        %run_scoped3A_436 = tpu.sem_alloc : memref<!tpu.dma_semaphore, #tpu.memory_space<semaphore_mem>>
        %dma_start3A_437 = arith.constant 0 : i32
        %dma_start3A_438 = tpu.memref_slice %arg9[%add3A_284, %dma_start3A_437] : memref<80x128xi32, #tpu.memory_space<vmem>> -> memref<1x128xi32, #tpu.memory_space<vmem>>
        %dma_start3A_439 = tpu.memref_squeeze %dma_start3A_438 : memref<1x128xi32, #tpu.memory_space<vmem>> -> memref<128xi32, #tpu.memory_space<vmem>>
        %dma_start3A_440 = arith.constant 0 : i32
        %dma_start3A_441 = tpu.memref_slice %arg16[%dma_start3A_440] : memref<10000xf32, #tpu.memory_space<vmem_shared>> -> memref<10000xf32, #tpu.memory_space<vmem_shared>>
        tpu.enqueue_indirect_dma source(%dma_start3A_441 : memref<10000xf32, #tpu.memory_space<vmem_shared>>) target(%arg14 : memref<128xf32, #tpu.memory_space<vmem>>) offsets(%dma_start3A_439 : memref<128xi32, #tpu.memory_space<vmem>>) semaphore(%run_scoped3A_436 : memref<!tpu.dma_semaphore, #tpu.memory_space<semaphore_mem>>)
        %dma_wait3A_442 = arith.constant 0 : i32
        %dma_wait3A_443 = tpu.memref_slice %arg9[%add3A_284, %dma_wait3A_442] : memref<80x128xi32, #tpu.memory_space<vmem>> -> memref<1x128xi32, #tpu.memory_space<vmem>>
        %dma_wait3A_444 = tpu.memref_squeeze %dma_wait3A_443 : memref<1x128xi32, #tpu.memory_space<vmem>> -> memref<128xi32, #tpu.memory_space<vmem>>
        %dma_wait3A_445 = arith.constant 0 : i32
        %dma_wait3A_446 = tpu.memref_slice %arg16[%dma_wait3A_445] : memref<10000xf32, #tpu.memory_space<vmem_shared>> -> memref<10000xf32, #tpu.memory_space<vmem_shared>>
        tpu.wait_indirect_dma semaphore(%run_scoped3A_436 : memref<!tpu.dma_semaphore, #tpu.memory_space<semaphore_mem>>) src(%dma_wait3A_446 : memref<10000xf32, #tpu.memory_space<vmem_shared>>) dst(%arg14 : memref<128xf32, #tpu.memory_space<vmem>>)
        tpu.yield
      }) : () -> ()
      %get3A_285 = arith.constant 0 : index
      %get3A_286 = tpu.vector_load %arg13[%get3A_285] {strides = array<i32>} : memref<128xf32, #tpu.memory_space<vmem>>, vector<16xf32>,
      %get3A_287 = arith.constant 0 : index
      %get3A_288 = tpu.vector_load %arg14[%get3A_287] {strides = array<i32>} : memref<128xf32, #tpu.memory_space<vmem>>, vector<16xf32>,
      %add3A_289 = arith.addf %get3A_286, %get3A_288 : vector<16xf32>
      %ge3A_290 = arith.constant 0.000000e+00 : f32
      %ge3A_291 = vector.broadcast %ge3A_290 : f32 to vector<16xf32>
      %ge3A_292 = arith.cmpf oge, %add3A_289, %ge3A_291 : vector<16xf32>
      %mul3A_293 = arith.constant 0.00999999977 : f32
      %mul3A_294 = vector.broadcast %mul3A_293 : f32 to vector<16xf32>
      %mul3A_295 = arith.mulf %mul3A_294, %add3A_289 : vector<16xf32>
      %select_n3A_296 = arith.select %ge3A_292, %add3A_289, %mul3A_295 : vector<16xi1>, vector<16xf32>
      %exp3A_297 = math.exp %select_n3A_296 : vector<16xf32>
      %swap3A_298 = arith.constant 0 : index
      %swap3A_299 = tpu.vector_load %arg12[%swap3A_298] {strides = array<i32>} : memref<144xf32, #tpu.memory_space<vmem>>, vector<16xf32>,
      tpu.vector_store %arg12[%swap3A_298], %exp3A_297 {strides = array<i32>} : memref<144xf32, #tpu.memory_space<vmem>>, vector<16xf32>,
      %get3A_300 = arith.constant 16 : index
      %get3A_301 = tpu.vector_load %arg13[%get3A_300] {strides = array<i32>} : memref<128xf32, #tpu.memory_space<vmem>>, vector<16xf32>,
      %get3A_302 = arith.constant 16 : index
      %get3A_303 = tpu.vector_load %arg14[%get3A_302] {strides = array<i32>} : memref<128xf32, #tpu.memory_space<vmem>>, vector<16xf32>,
      %add3A_304 = arith.addf %get3A_301, %get3A_303 : vector<16xf32>
      %ge3A_305 = arith.constant 0.000000e+00 : f32
      %ge3A_306 = vector.broadcast %ge3A_305 : f32 to vector<16xf32>
      %ge3A_307 = arith.cmpf oge, %add3A_304, %ge3A_306 : vector<16xf32>
      %mul3A_308 = arith.constant 0.00999999977 : f32
      %mul3A_309 = vector.broadcast %mul3A_308 : f32 to vector<16xf32>
      %mul3A_310 = arith.mulf %mul3A_309, %add3A_304 : vector<16xf32>
      %select_n3A_311 = arith.select %ge3A_307, %add3A_304, %mul3A_310 : vector<16xi1>, vector<16xf32>
      %exp3A_312 = math.exp %select_n3A_311 : vector<16xf32>
      %swap3A_313 = arith.constant 16 : index
      %swap3A_314 = tpu.vector_load %arg12[%swap3A_313] {strides = array<i32>} : memref<144xf32, #tpu.memory_space<vmem>>, vector<16xf32>,
      tpu.vector_store %arg12[%swap3A_313], %exp3A_312 {strides = array<i32>} : memref<144xf32, #tpu.memory_space<vmem>>, vector<16xf32>,
      %get3A_315 = arith.constant 32 : index
      %get3A_316 = tpu.vector_load %arg13[%get3A_315] {strides = array<i32>} : memref<128xf32, #tpu.memory_space<vmem>>, vector<16xf32>,
      %get3A_317 = arith.constant 32 : index
      %get3A_318 = tpu.vector_load %arg14[%get3A_317] {strides = array<i32>} : memref<128xf32, #tpu.memory_space<vmem>>, vector<16xf32>,
      %add3A_319 = arith.addf %get3A_316, %get3A_318 : vector<16xf32>
      %ge3A_320 = arith.constant 0.000000e+00 : f32
      %ge3A_321 = vector.broadcast %ge3A_320 : f32 to vector<16xf32>
      %ge3A_322 = arith.cmpf oge, %add3A_319, %ge3A_321 : vector<16xf32>
      %mul3A_323 = arith.constant 0.00999999977 : f32
      %mul3A_324 = vector.broadcast %mul3A_323 : f32 to vector<16xf32>
      %mul3A_325 = arith.mulf %mul3A_324, %add3A_319 : vector<16xf32>
      %select_n3A_326 = arith.select %ge3A_322, %add3A_319, %mul3A_325 : vector<16xi1>, vector<16xf32>
      %exp3A_327 = math.exp %select_n3A_326 : vector<16xf32>
      %swap3A_328 = arith.constant 32 : index
      %swap3A_329 = tpu.vector_load %arg12[%swap3A_328] {strides = array<i32>} : memref<144xf32, #tpu.memory_space<vmem>>, vector<16xf32>,
      tpu.vector_store %arg12[%swap3A_328], %exp3A_327 {strides = array<i32>} : memref<144xf32, #tpu.memory_space<vmem>>, vector<16xf32>,
      %get3A_330 = arith.constant 48 : index
      %get3A_331 = tpu.vector_load %arg13[%get3A_330] {strides = array<i32>} : memref<128xf32, #tpu.memory_space<vmem>>, vector<16xf32>,
      %get3A_332 = arith.constant 48 : index
      %get3A_333 = tpu.vector_load %arg14[%get3A_332] {strides = array<i32>} : memref<128xf32, #tpu.memory_space<vmem>>, vector<16xf32>,
      %add3A_334 = arith.addf %get3A_331, %get3A_333 : vector<16xf32>
      %ge3A_335 = arith.constant 0.000000e+00 : f32
      %ge3A_336 = vector.broadcast %ge3A_335 : f32 to vector<16xf32>
      %ge3A_337 = arith.cmpf oge, %add3A_334, %ge3A_336 : vector<16xf32>
      %mul3A_338 = arith.constant 0.00999999977 : f32
      %mul3A_339 = vector.broadcast %mul3A_338 : f32 to vector<16xf32>
      %mul3A_340 = arith.mulf %mul3A_339, %add3A_334 : vector<16xf32>
      %select_n3A_341 = arith.select %ge3A_337, %add3A_334, %mul3A_340 : vector<16xi1>, vector<16xf32>
      %exp3A_342 = math.exp %select_n3A_341 : vector<16xf32>
      %swap3A_343 = arith.constant 48 : index
      %swap3A_344 = tpu.vector_load %arg12[%swap3A_343] {strides = array<i32>} : memref<144xf32, #tpu.memory_space<vmem>>, vector<16xf32>,
      tpu.vector_store %arg12[%swap3A_343], %exp3A_342 {strides = array<i32>} : memref<144xf32, #tpu.memory_space<vmem>>, vector<16xf32>,
      %get3A_345 = arith.constant 64 : index
      %get3A_346 = tpu.vector_load %arg13[%get3A_345] {strides = array<i32>} : memref<128xf32, #tpu.memory_space<vmem>>, vector<16xf32>,
      %get3A_347 = arith.constant 64 : index
      %get3A_348 = tpu.vector_load %arg14[%get3A_347] {strides = array<i32>} : memref<128xf32, #tpu.memory_space<vmem>>, vector<16xf32>,
      %add3A_349 = arith.addf %get3A_346, %get3A_348 : vector<16xf32>
      %ge3A_350 = arith.constant 0.000000e+00 : f32
      %ge3A_351 = vector.broadcast %ge3A_350 : f32 to vector<16xf32>
      %ge3A_352 = arith.cmpf oge, %add3A_349, %ge3A_351 : vector<16xf32>
      %mul3A_353 = arith.constant 0.00999999977 : f32
      %mul3A_354 = vector.broadcast %mul3A_353 : f32 to vector<16xf32>
      %mul3A_355 = arith.mulf %mul3A_354, %add3A_349 : vector<16xf32>
      %select_n3A_356 = arith.select %ge3A_352, %add3A_349, %mul3A_355 : vector<16xi1>, vector<16xf32>
      %exp3A_357 = math.exp %select_n3A_356 : vector<16xf32>
      %swap3A_358 = arith.constant 64 : index
      %swap3A_359 = tpu.vector_load %arg12[%swap3A_358] {strides = array<i32>} : memref<144xf32, #tpu.memory_space<vmem>>, vector<16xf32>,
      tpu.vector_store %arg12[%swap3A_358], %exp3A_357 {strides = array<i32>} : memref<144xf32, #tpu.memory_space<vmem>>, vector<16xf32>,
      %get3A_360 = arith.constant 80 : index
      %get3A_361 = tpu.vector_load %arg13[%get3A_360] {strides = array<i32>} : memref<128xf32, #tpu.memory_space<vmem>>, vector<16xf32>,
      %get3A_362 = arith.constant 80 : index
      %get3A_363 = tpu.vector_load %arg14[%get3A_362] {strides = array<i32>} : memref<128xf32, #tpu.memory_space<vmem>>, vector<16xf32>,
      %add3A_364 = arith.addf %get3A_361, %get3A_363 : vector<16xf32>
      %ge3A_365 = arith.constant 0.000000e+00 : f32
      %ge3A_366 = vector.broadcast %ge3A_365 : f32 to vector<16xf32>
      %ge3A_367 = arith.cmpf oge, %add3A_364, %ge3A_366 : vector<16xf32>
      %mul3A_368 = arith.constant 0.00999999977 : f32
      %mul3A_369 = vector.broadcast %mul3A_368 : f32 to vector<16xf32>
      %mul3A_370 = arith.mulf %mul3A_369, %add3A_364 : vector<16xf32>
      %select_n3A_371 = arith.select %ge3A_367, %add3A_364, %mul3A_370 : vector<16xi1>, vector<16xf32>
      %exp3A_372 = math.exp %select_n3A_371 : vector<16xf32>
      %swap3A_373 = arith.constant 80 : index
      %swap3A_374 = tpu.vector_load %arg12[%swap3A_373] {strides = array<i32>} : memref<144xf32, #tpu.memory_space<vmem>>, vector<16xf32>,
      tpu.vector_store %arg12[%swap3A_373], %exp3A_372 {strides = array<i32>} : memref<144xf32, #tpu.memory_space<vmem>>, vector<16xf32>,
      %get3A_375 = arith.constant 96 : index
      %get3A_376 = tpu.vector_load %arg13[%get3A_375] {strides = array<i32>} : memref<128xf32, #tpu.memory_space<vmem>>, vector<16xf32>,
      %get3A_377 = arith.constant 96 : index
      %get3A_378 = tpu.vector_load %arg14[%get3A_377] {strides = array<i32>} : memref<128xf32, #tpu.memory_space<vmem>>, vector<16xf32>,
      %add3A_379 = arith.addf %get3A_376, %get3A_378 : vector<16xf32>
      %ge3A_380 = arith.constant 0.000000e+00 : f32
      %ge3A_381 = vector.broadcast %ge3A_380 : f32 to vector<16xf32>
      %ge3A_382 = arith.cmpf oge, %add3A_379, %ge3A_381 : vector<16xf32>
      %mul3A_383 = arith.constant 0.00999999977 : f32
      %mul3A_384 = vector.broadcast %mul3A_383 : f32 to vector<16xf32>
      %mul3A_385 = arith.mulf %mul3A_384, %add3A_379 : vector<16xf32>
      %select_n3A_386 = arith.select %ge3A_382, %add3A_379, %mul3A_385 : vector<16xi1>, vector<16xf32>
      %exp3A_387 = math.exp %select_n3A_386 : vector<16xf32>
      %swap3A_388 = arith.constant 96 : index
      %swap3A_389 = tpu.vector_load %arg12[%swap3A_388] {strides = array<i32>} : memref<144xf32, #tpu.memory_space<vmem>>, vector<16xf32>,
      tpu.vector_store %arg12[%swap3A_388], %exp3A_387 {strides = array<i32>} : memref<144xf32, #tpu.memory_space<vmem>>, vector<16xf32>,
      %get3A_390 = arith.constant 112 : index
      %get3A_391 = tpu.vector_load %arg13[%get3A_390] {strides = array<i32>} : memref<128xf32, #tpu.memory_space<vmem>>, vector<16xf32>,
      %get3A_392 = arith.constant 112 : index
      %get3A_393 = tpu.vector_load %arg14[%get3A_392] {strides = array<i32>} : memref<128xf32, #tpu.memory_space<vmem>>, vector<16xf32>,
      %add3A_394 = arith.addf %get3A_391, %get3A_393 : vector<16xf32>
      %ge3A_395 = arith.constant 0.000000e+00 : f32
      %ge3A_396 = vector.broadcast %ge3A_395 : f32 to vector<16xf32>
      %ge3A_397 = arith.cmpf oge, %add3A_394, %ge3A_396 : vector<16xf32>
      %mul3A_398 = arith.constant 0.00999999977 : f32
      %mul3A_399 = vector.broadcast %mul3A_398 : f32 to vector<16xf32>
      %mul3A_400 = arith.mulf %mul3A_399, %add3A_394 : vector<16xf32>
      %select_n3A_401 = arith.select %ge3A_397, %add3A_394, %mul3A_400 : vector<16xi1>, vector<16xf32>
      %exp3A_402 = math.exp %select_n3A_401 : vector<16xf32>
      %swap3A_403 = arith.constant 112 : index
      %swap3A_404 = tpu.vector_load %arg12[%swap3A_403] {strides = array<i32>} : memref<144xf32, #tpu.memory_space<vmem>>, vector<16xf32>,
      tpu.vector_store %arg12[%swap3A_403], %exp3A_402 {strides = array<i32>} : memref<144xf32, #tpu.memory_space<vmem>>, vector<16xf32>,
      %dma_wait3A_405 = arith.constant 0 : i32
      %dma_wait3A_406 = tpu.memref_slice %arg9[%mul3A_136, %dma_wait3A_405] : memref<80x128xi32, #tpu.memory_space<vmem>> -> memref<1x128xi32, #tpu.memory_space<vmem>>
      %dma_wait3A_407 = tpu.memref_squeeze %dma_wait3A_406 : memref<1x128xi32, #tpu.memory_space<vmem>> -> memref<128xi32, #tpu.memory_space<vmem>>
      %dma_wait3A_408 = arith.constant 0 : i32
      %dma_wait3A_409 = arith.constant 0 : i32
      %dma_wait3A_410 = tpu.memref_slice %arg17[%dma_wait3A_408, %dma_wait3A_409] : memref<10240x128xf32, #tpu.memory_space<vmem_shared>> -> memref<10240x128xf32, #tpu.memory_space<vmem_shared>>
      tpu.wait_indirect_dma semaphore(%arg19 : memref<!tpu.dma_semaphore, #tpu.memory_space<semaphore_mem>>) src(%arg10 : memref<128x128xf32, #tpu.memory_space<vmem>>) dst(%dma_wait3A_410 : memref<10240x128xf32, #tpu.memory_space<vmem_shared>>)
      %dma_wait3A_411 = arith.constant 0 : i32
      %dma_wait3A_412 = tpu.memref_slice %arg11[%dma_wait3A_411] : memref<144xf32, #tpu.memory_space<vmem>> -> memref<128xf32, #tpu.memory_space<vmem>>
      %dma_wait3A_413 = arith.constant 0 : i32
      %dma_wait3A_414 = tpu.memref_slice %arg9[%mul3A_136, %dma_wait3A_413] : memref<80x128xi32, #tpu.memory_space<vmem>> -> memref<1x128xi32, #tpu.memory_space<vmem>>
      %dma_wait3A_415 = tpu.memref_squeeze %dma_wait3A_414 : memref<1x128xi32, #tpu.memory_space<vmem>> -> memref<128xi32, #tpu.memory_space<vmem>>
      %dma_wait3A_416 = arith.constant 0 : i32
      %dma_wait3A_417 = tpu.memref_slice %arg18[%dma_wait3A_416] : memref<10240xf32, #tpu.memory_space<vmem_shared>> -> memref<10240xf32, #tpu.memory_space<vmem_shared>>
      tpu.wait_indirect_dma semaphore(%arg19 : memref<!tpu.dma_semaphore, #tpu.memory_space<semaphore_mem>>) src(%dma_wait3A_412 : memref<128xf32, #tpu.memory_space<vmem>>) dst(%dma_wait3A_417 : memref<10240xf32, #tpu.memory_space<vmem_shared>>)
      %add3A_418 = arith.constant 1 : i32
      %add3A_419 = arith.addi %mul3A_136, %add3A_418 : i32
      "tpu.region"() ({
        %run_scoped3A_436 = tpu.sem_alloc : memref<!tpu.dma_semaphore, #tpu.memory_space<semaphore_mem>>
        %dma_start3A_437 = arith.constant 0 : i32
        %dma_start3A_438 = tpu.memref_slice %arg8[%add3A_419, %dma_start3A_437] : memref<80x128xi32, #tpu.memory_space<vmem>> -> memref<1x128xi32, #tpu.memory_space<vmem>>
        %dma_start3A_439 = tpu.memref_squeeze %dma_start3A_438 : memref<1x128xi32, #tpu.memory_space<vmem>> -> memref<128xi32, #tpu.memory_space<vmem>>
        %dma_start3A_440 = arith.constant 0 : i32
        %dma_start3A_441 = arith.constant 0 : i32
        %dma_start3A_442 = tpu.memref_slice %arg5[%dma_start3A_440, %dma_start3A_441] : memref<10000x128xf32, #tpu.memory_space<hbm>> -> memref<10000x128xf32, #tpu.memory_space<hbm>>
        tpu.enqueue_indirect_dma source(%dma_start3A_442 : memref<10000x128xf32, #tpu.memory_space<hbm>>) target(%arg10 : memref<128x128xf32, #tpu.memory_space<vmem>>) offsets(%dma_start3A_439 : memref<128xi32, #tpu.memory_space<vmem>>) semaphore(%run_scoped3A_436 : memref<!tpu.dma_semaphore, #tpu.memory_space<semaphore_mem>>)
        %dma_wait3A_443 = arith.constant 0 : i32
        %dma_wait3A_444 = tpu.memref_slice %arg8[%add3A_419, %dma_wait3A_443] : memref<80x128xi32, #tpu.memory_space<vmem>> -> memref<1x128xi32, #tpu.memory_space<vmem>>
        %dma_wait3A_445 = tpu.memref_squeeze %dma_wait3A_444 : memref<1x128xi32, #tpu.memory_space<vmem>> -> memref<128xi32, #tpu.memory_space<vmem>>
        %dma_wait3A_446 = arith.constant 0 : i32
        %dma_wait3A_447 = arith.constant 0 : i32
        %dma_wait3A_448 = tpu.memref_slice %arg5[%dma_wait3A_446, %dma_wait3A_447] : memref<10000x128xf32, #tpu.memory_space<hbm>> -> memref<10000x128xf32, #tpu.memory_space<hbm>>
        tpu.wait_indirect_dma semaphore(%run_scoped3A_436 : memref<!tpu.dma_semaphore, #tpu.memory_space<semaphore_mem>>) src(%dma_wait3A_448 : memref<10000x128xf32, #tpu.memory_space<hbm>>) dst(%arg10 : memref<128x128xf32, #tpu.memory_space<vmem>>)
        tpu.yield
      }) : () -> ()
      %parallel_loop3A_420 = arith.constant 0 : i32
      %parallel_loop3A_421 = arith.constant 128 : i32
      %parallel_loop3A_422 = arith.constant 1 : i32
      scf.for %parallel_loop3A_436 = %parallel_loop3A_420 to %parallel_loop3A_421 step %parallel_loop3A_422  : i32 {
        %parallel_loop3A_437 = arith.index_cast %parallel_loop3A_436 : i32 to index
        %parallel_loop3A_438 = tpu.vector_load %arg12[%parallel_loop3A_437] {strides = array<i32>} : memref<144xf32, #tpu.memory_space<vmem>>, vector<16xf32>,
        %parallel_loop3A_439 = vector.extract_strided_slice %parallel_loop3A_438 {offsets = [0], sizes = [1], strides = [1]} : vector<16xf32> to vector<1xf32>
        %parallel_loop3A_440 = vector.extract %parallel_loop3A_439[0] : f32 from vector<1xf32>
        %parallel_loop3A_441 = arith.index_cast %parallel_loop3A_436 : i32 to index
        %parallel_loop3A_442 = arith.constant 0 : index
        %parallel_loop3A_443 = tpu.vector_load %arg10[%parallel_loop3A_441, %parallel_loop3A_442] {strides = array<i32>} : memref<128x128xf32, #tpu.memory_space<vmem>>, vector<16xf32>,
        %parallel_loop3A_444 = vector.broadcast %parallel_loop3A_440 : f32 to vector<16xf32>
        %parallel_loop3A_445 = arith.mulf %parallel_loop3A_443, %parallel_loop3A_444 : vector<16xf32>
        %parallel_loop3A_446 = arith.index_cast %parallel_loop3A_436 : i32 to index
        %parallel_loop3A_447 = arith.constant 0 : index
        %parallel_loop3A_448 = tpu.vector_load %arg10[%parallel_loop3A_446, %parallel_loop3A_447] {strides = array<i32>} : memref<128x128xf32, #tpu.memory_space<vmem>>, vector<16xf32>,
        tpu.vector_store %arg10[%parallel_loop3A_446, %parallel_loop3A_447], %parallel_loop3A_445 {strides = array<i32>} : memref<128x128xf32, #tpu.memory_space<vmem>>, vector<16xf32>,
        %parallel_loop3A_449 = arith.index_cast %parallel_loop3A_436 : i32 to index
        %parallel_loop3A_450 = arith.constant 16 : index
        %parallel_loop3A_451 = tpu.vector_load %arg10[%parallel_loop3A_449, %parallel_loop3A_450] {strides = array<i32>} : memref<128x128xf32, #tpu.memory_space<vmem>>, vector<16xf32>,
        %parallel_loop3A_452 = vector.broadcast %parallel_loop3A_440 : f32 to vector<16xf32>
        %parallel_loop3A_453 = arith.mulf %parallel_loop3A_451, %parallel_loop3A_452 : vector<16xf32>
        %parallel_loop3A_454 = arith.index_cast %parallel_loop3A_436 : i32 to index
        %parallel_loop3A_455 = arith.constant 16 : index
        %parallel_loop3A_456 = tpu.vector_load %arg10[%parallel_loop3A_454, %parallel_loop3A_455] {strides = array<i32>} : memref<128x128xf32, #tpu.memory_space<vmem>>, vector<16xf32>,
        tpu.vector_store %arg10[%parallel_loop3A_454, %parallel_loop3A_455], %parallel_loop3A_453 {strides = array<i32>} : memref<128x128xf32, #tpu.memory_space<vmem>>, vector<16xf32>,
        %parallel_loop3A_457 = arith.index_cast %parallel_loop3A_436 : i32 to index
        %parallel_loop3A_458 = arith.constant 32 : index
        %parallel_loop3A_459 = tpu.vector_load %arg10[%parallel_loop3A_457, %parallel_loop3A_458] {strides = array<i32>} : memref<128x128xf32, #tpu.memory_space<vmem>>, vector<16xf32>,
        %parallel_loop3A_460 = vector.broadcast %parallel_loop3A_440 : f32 to vector<16xf32>
        %parallel_loop3A_461 = arith.mulf %parallel_loop3A_459, %parallel_loop3A_460 : vector<16xf32>
        %parallel_loop3A_462 = arith.index_cast %parallel_loop3A_436 : i32 to index
        %parallel_loop3A_463 = arith.constant 32 : index
        %parallel_loop3A_464 = tpu.vector_load %arg10[%parallel_loop3A_462, %parallel_loop3A_463] {strides = array<i32>} : memref<128x128xf32, #tpu.memory_space<vmem>>, vector<16xf32>,
        tpu.vector_store %arg10[%parallel_loop3A_462, %parallel_loop3A_463], %parallel_loop3A_461 {strides = array<i32>} : memref<128x128xf32, #tpu.memory_space<vmem>>, vector<16xf32>,
        %parallel_loop3A_465 = arith.index_cast %parallel_loop3A_436 : i32 to index
        %parallel_loop3A_466 = arith.constant 48 : index
        %parallel_loop3A_467 = tpu.vector_load %arg10[%parallel_loop3A_465, %parallel_loop3A_466] {strides = array<i32>} : memref<128x128xf32, #tpu.memory_space<vmem>>, vector<16xf32>,
        %parallel_loop3A_468 = vector.broadcast %parallel_loop3A_440 : f32 to vector<16xf32>
        %parallel_loop3A_469 = arith.mulf %parallel_loop3A_467, %parallel_loop3A_468 : vector<16xf32>
        %parallel_loop3A_470 = arith.index_cast %parallel_loop3A_436 : i32 to index
        %parallel_loop3A_471 = arith.constant 48 : index
        %parallel_loop3A_472 = tpu.vector_load %arg10[%parallel_loop3A_470, %parallel_loop3A_471] {strides = array<i32>} : memref<128x128xf32, #tpu.memory_space<vmem>>, vector<16xf32>,
        tpu.vector_store %arg10[%parallel_loop3A_470, %parallel_loop3A_471], %parallel_loop3A_469 {strides = array<i32>} : memref<128x128xf32, #tpu.memory_space<vmem>>, vector<16xf32>,
        %parallel_loop3A_473 = arith.index_cast %parallel_loop3A_436 : i32 to index
        %parallel_loop3A_474 = arith.constant 64 : index
        %parallel_loop3A_475 = tpu.vector_load %arg10[%parallel_loop3A_473, %parallel_loop3A_474] {strides = array<i32>} : memref<128x128xf32, #tpu.memory_space<vmem>>, vector<16xf32>,
        %parallel_loop3A_476 = vector.broadcast %parallel_loop3A_440 : f32 to vector<16xf32>
        %parallel_loop3A_477 = arith.mulf %parallel_loop3A_475, %parallel_loop3A_476 : vector<16xf32>
        %parallel_loop3A_478 = arith.index_cast %parallel_loop3A_436 : i32 to index
        %parallel_loop3A_479 = arith.constant 64 : index
        %parallel_loop3A_480 = tpu.vector_load %arg10[%parallel_loop3A_478, %parallel_loop3A_479] {strides = array<i32>} : memref<128x128xf32, #tpu.memory_space<vmem>>, vector<16xf32>,
        tpu.vector_store %arg10[%parallel_loop3A_478, %parallel_loop3A_479], %parallel_loop3A_477 {strides = array<i32>} : memref<128x128xf32, #tpu.memory_space<vmem>>, vector<16xf32>,
        %parallel_loop3A_481 = arith.index_cast %parallel_loop3A_436 : i32 to index
        %parallel_loop3A_482 = arith.constant 80 : index
        %parallel_loop3A_483 = tpu.vector_load %arg10[%parallel_loop3A_481, %parallel_loop3A_482] {strides = array<i32>} : memref<128x128xf32, #tpu.memory_space<vmem>>, vector<16xf32>,
        %parallel_loop3A_484 = vector.broadcast %parallel_loop3A_440 : f32 to vector<16xf32>
        %parallel_loop3A_485 = arith.mulf %parallel_loop3A_483, %parallel_loop3A_484 : vector<16xf32>
        %parallel_loop3A_486 = arith.index_cast %parallel_loop3A_436 : i32 to index
        %parallel_loop3A_487 = arith.constant 80 : index
        %parallel_loop3A_488 = tpu.vector_load %arg10[%parallel_loop3A_486, %parallel_loop3A_487] {strides = array<i32>} : memref<128x128xf32, #tpu.memory_space<vmem>>, vector<16xf32>,
        tpu.vector_store %arg10[%parallel_loop3A_486, %parallel_loop3A_487], %parallel_loop3A_485 {strides = array<i32>} : memref<128x128xf32, #tpu.memory_space<vmem>>, vector<16xf32>,
        %parallel_loop3A_489 = arith.index_cast %parallel_loop3A_436 : i32 to index
        %parallel_loop3A_490 = arith.constant 96 : index
        %parallel_loop3A_491 = tpu.vector_load %arg10[%parallel_loop3A_489, %parallel_loop3A_490] {strides = array<i32>} : memref<128x128xf32, #tpu.memory_space<vmem>>, vector<16xf32>,
        %parallel_loop3A_492 = vector.broadcast %parallel_loop3A_440 : f32 to vector<16xf32>
        %parallel_loop3A_493 = arith.mulf %parallel_loop3A_491, %parallel_loop3A_492 : vector<16xf32>
        %parallel_loop3A_494 = arith.index_cast %parallel_loop3A_436 : i32 to index
        %parallel_loop3A_495 = arith.constant 96 : index
        %parallel_loop3A_496 = tpu.vector_load %arg10[%parallel_loop3A_494, %parallel_loop3A_495] {strides = array<i32>} : memref<128x128xf32, #tpu.memory_space<vmem>>, vector<16xf32>,
        tpu.vector_store %arg10[%parallel_loop3A_494, %parallel_loop3A_495], %parallel_loop3A_493 {strides = array<i32>} : memref<128x128xf32, #tpu.memory_space<vmem>>, vector<16xf32>,
        %parallel_loop3A_497 = arith.index_cast %parallel_loop3A_436 : i32 to index
        %parallel_loop3A_498 = arith.constant 112 : index
        %parallel_loop3A_499 = tpu.vector_load %arg10[%parallel_loop3A_497, %parallel_loop3A_498] {strides = array<i32>} : memref<128x128xf32, #tpu.memory_space<vmem>>, vector<16xf32>,
        %parallel_loop3A_500 = vector.broadcast %parallel_loop3A_440 : f32 to vector<16xf32>
        %parallel_loop3A_501 = arith.mulf %parallel_loop3A_499, %parallel_loop3A_500 : vector<16xf32>
        %parallel_loop3A_502 = arith.index_cast %parallel_loop3A_436 : i32 to index
        %parallel_loop3A_503 = arith.constant 112 : index
        %parallel_loop3A_504 = tpu.vector_load %arg10[%parallel_loop3A_502, %parallel_loop3A_503] {strides = array<i32>} : memref<128x128xf32, #tpu.memory_space<vmem>>, vector<16xf32>,
        tpu.vector_store %arg10[%parallel_loop3A_502, %parallel_loop3A_503], %parallel_loop3A_501 {strides = array<i32>} : memref<128x128xf32, #tpu.memory_space<vmem>>, vector<16xf32>,
      } {sc.loop_unroll_factor = 8 : i64, sc.parallel_access}
      %dma_start3A_423 = arith.constant 0 : i32
      %dma_start3A_424 = tpu.memref_slice %arg9[%add3A_419, %dma_start3A_423] : memref<80x128xi32, #tpu.memory_space<vmem>> -> memref<1x128xi32, #tpu.memory_space<vmem>>
      %dma_start3A_425 = tpu.memref_squeeze %dma_start3A_424 : memref<1x128xi32, #tpu.memory_space<vmem>> -> memref<128xi32, #tpu.memory_space<vmem>>
      %dma_start3A_426 = arith.constant 0 : i32
      %dma_start3A_427 = arith.constant 0 : i32
      %dma_start3A_428 = tpu.memref_slice %arg17[%dma_start3A_426, %dma_start3A_427] : memref<10240x128xf32, #tpu.memory_space<vmem_shared>> -> memref<10240x128xf32, #tpu.memory_space<vmem_shared>>
      tpu.enqueue_indirect_dma source(%arg10 : memref<128x128xf32, #tpu.memory_space<vmem>>) target(%dma_start3A_428 : memref<10240x128xf32, #tpu.memory_space<vmem_shared>>) offsets(%dma_start3A_425 : memref<128xi32, #tpu.memory_space<vmem>>) semaphore(%arg20 : memref<!tpu.dma_semaphore, #tpu.memory_space<semaphore_mem>>) {add = true}
      %dma_start3A_429 = arith.constant 0 : i32
      %dma_start3A_430 = tpu.memref_slice %arg12[%dma_start3A_429] : memref<144xf32, #tpu.memory_space<vmem>> -> memref<128xf32, #tpu.memory_space<vmem>>
      %dma_start3A_431 = arith.constant 0 : i32
      %dma_start3A_432 = tpu.memref_slice %arg9[%add3A_419, %dma_start3A_431] : memref<80x128xi32, #tpu.memory_space<vmem>> -> memref<1x128xi32, #tpu.memory_space<vmem>>
      %dma_start3A_433 = tpu.memref_squeeze %dma_start3A_432 : memref<1x128xi32, #tpu.memory_space<vmem>> -> memref<128xi32, #tpu.memory_space<vmem>>
      %dma_start3A_434 = arith.constant 0 : i32
      %dma_start3A_435 = tpu.memref_slice %arg18[%dma_start3A_434] : memref<10240xf32, #tpu.memory_space<vmem_shared>> -> memref<10240xf32, #tpu.memory_space<vmem_shared>>
      tpu.enqueue_indirect_dma source(%dma_start3A_430 : memref<128xf32, #tpu.memory_space<vmem>>) target(%dma_start3A_435 : memref<10240xf32, #tpu.memory_space<vmem_shared>>) offsets(%dma_start3A_433 : memref<128xi32, #tpu.memory_space<vmem>>) semaphore(%arg20 : memref<!tpu.dma_semaphore, #tpu.memory_space<semaphore_mem>>) {add = true}
    }
    %scan3A_107 = arith.constant 40 : i32
    %dma_wait3A = arith.constant 79 : i32
    %dma_wait3A_108 = arith.constant 0 : i32
    %dma_wait3A_109 = tpu.memref_slice %arg9[%dma_wait3A, %dma_wait3A_108] : memref<80x128xi32, #tpu.memory_space<vmem>> -> memref<1x128xi32, #tpu.memory_space<vmem>>
    %dma_wait3A_110 = tpu.memref_squeeze %dma_wait3A_109 : memref<1x128xi32, #tpu.memory_space<vmem>> -> memref<128xi32, #tpu.memory_space<vmem>>
    %dma_wait3A_111 = arith.constant 0 : i32
    %dma_wait3A_112 = arith.constant 0 : i32
    %dma_wait3A_113 = tpu.memref_slice %arg17[%dma_wait3A_111, %dma_wait3A_112] : memref<10240x128xf32, #tpu.memory_space<vmem_shared>> -> memref<10240x128xf32, #tpu.memory_space<vmem_shared>>
    tpu.wait_indirect_dma semaphore(%arg20 : memref<!tpu.dma_semaphore, #tpu.memory_space<semaphore_mem>>) src(%arg10 : memref<128x128xf32, #tpu.memory_space<vmem>>) dst(%dma_wait3A_113 : memref<10240x128xf32, #tpu.memory_space<vmem_shared>>)
    %dma_wait3A_114 = arith.constant 79 : i32
    %dma_wait3A_115 = arith.constant 0 : i32
    %dma_wait3A_116 = tpu.memref_slice %arg12[%dma_wait3A_115] : memref<144xf32, #tpu.memory_space<vmem>> -> memref<128xf32, #tpu.memory_space<vmem>>
    %dma_wait3A_117 = arith.constant 0 : i32
    %dma_wait3A_118 = tpu.memref_slice %arg9[%dma_wait3A_114, %dma_wait3A_117] : memref<80x128xi32, #tpu.memory_space<vmem>> -> memref<1x128xi32, #tpu.memory_space<vmem>>
    %dma_wait3A_119 = tpu.memref_squeeze %dma_wait3A_118 : memref<1x128xi32, #tpu.memory_space<vmem>> -> memref<128xi32, #tpu.memory_space<vmem>>
    %dma_wait3A_120 = arith.constant 0 : i32
    %dma_wait3A_121 = tpu.memref_slice %arg18[%dma_wait3A_120] : memref<10240xf32, #tpu.memory_space<vmem_shared>> -> memref<10240xf32, #tpu.memory_space<vmem_shared>>
    tpu.wait_indirect_dma semaphore(%arg20 : memref<!tpu.dma_semaphore, #tpu.memory_space<semaphore_mem>>) src(%dma_wait3A_116 : memref<128xf32, #tpu.memory_space<vmem>>) dst(%dma_wait3A_121 : memref<10240xf32, #tpu.memory_space<vmem_shared>>)
    %barrier3A_122 = arith.constant 0 : index
    tpu.barrier barrier_id(%barrier3A_122)
    %mul3A_123 = arith.constant 640 : i32
    %mul3A_124 = arith.muli %arg1, %mul3A_123 : i32
    %mul3A_125 = arith.constant 640 : i32
    %mul3A_126 = arith.muli %arg1, %mul3A_125 : i32
    "tpu.region"() ({
      %run_scoped3A_134 = tpu.sem_alloc : memref<!tpu.dma_semaphore, #tpu.memory_space<semaphore_mem>>
      %dma_start3A_135 = arith.constant 0 : i32
      %dma_start3A_136 = tpu.memref_slice %arg6[%arg0, %mul3A_126, %dma_start3A_135] : memref<2x10240x128xf32, #tpu.memory_space<hbm>> -> memref<1x640x128xf32, #tpu.memory_space<hbm>>
      %dma_start3A_137 = tpu.memref_squeeze %dma_start3A_136 : memref<1x640x128xf32, #tpu.memory_space<hbm>> -> memref<640x128xf32, #tpu.memory_space<hbm>>
      %dma_start3A_138 = arith.constant 0 : i32
      %dma_start3A_139 = tpu.memref_slice %arg17[%mul3A_124, %dma_start3A_138] : memref<10240x128xf32, #tpu.memory_space<vmem_shared>> -> memref<640x128xf32, #tpu.memory_space<vmem_shared>>
      tpu.enqueue_dma source(%dma_start3A_139 : memref<640x128xf32, #tpu.memory_space<vmem_shared>>) target(%dma_start3A_137 : memref<640x128xf32, #tpu.memory_space<hbm>>) target_semaphore(%run_scoped3A_134 : memref<!tpu.dma_semaphore, #tpu.memory_space<semaphore_mem>>)
      %dma_wait3A_140 = arith.constant 0 : i32
      %dma_wait3A_141 = tpu.memref_slice %arg6[%arg0, %mul3A_126, %dma_wait3A_140] : memref<2x10240x128xf32, #tpu.memory_space<hbm>> -> memref<1x640x128xf32, #tpu.memory_space<hbm>>
      %dma_wait3A_142 = tpu.memref_squeeze %dma_wait3A_141 : memref<1x640x128xf32, #tpu.memory_space<hbm>> -> memref<640x128xf32, #tpu.memory_space<hbm>>
      %dma_wait3A_143 = arith.constant 0 : i32
      %dma_wait3A_144 = tpu.memref_slice %arg17[%mul3A_124, %dma_wait3A_143] : memref<10240x128xf32, #tpu.memory_space<vmem_shared>> -> memref<640x128xf32, #tpu.memory_space<vmem_shared>>
      tpu.wait_dma2 semaphore(%run_scoped3A_134 : memref<!tpu.dma_semaphore, #tpu.memory_space<semaphore_mem>>) src(%dma_wait3A_144 : memref<640x128xf32, #tpu.memory_space<vmem_shared>>) dst(%dma_wait3A_142 : memref<640x128xf32, #tpu.memory_space<hbm>>)
      tpu.yield
    }) : () -> ()
    %mul3A_127 = arith.constant 640 : i32
    %mul3A_128 = arith.muli %arg1, %mul3A_127 : i32
    %mul3A_129 = arith.constant 10240 : i32
    %mul3A_130 = arith.muli %arg0, %mul3A_129 : i32
    %mul3A_131 = arith.constant 640 : i32
    %mul3A_132 = arith.muli %arg1, %mul3A_131 : i32
    %add3A_133 = arith.addi %mul3A_130, %mul3A_132 : i32
    "tpu.region"() ({
      %run_scoped3A_134 = tpu.sem_alloc : memref<!tpu.dma_semaphore, #tpu.memory_space<semaphore_mem>>
      %dma_start3A_135 = tpu.memref_slice %arg7[%add3A_133] : memref<20480xf32, #tpu.memory_space<hbm>> -> memref<640xf32, #tpu.memory_space<hbm>>
      %dma_start3A_136 = tpu.memref_slice %arg18[%mul3A_128] : memref<10240xf32, #tpu.memory_space<vmem_shared>> -> memref<640xf32, #tpu.memory_space<vmem_shared>>
      tpu.enqueue_dma source(%dma_start3A_136 : memref<640xf32, #tpu.memory_space<vmem_shared>>) target(%dma_start3A_135 : memref<640xf32, #tpu.memory_space<hbm>>) target_semaphore(%run_scoped3A_134 : memref<!tpu.dma_semaphore, #tpu.memory_space<semaphore_mem>>)
      %dma_wait3A_137 = tpu.memref_slice %arg7[%add3A_133] : memref<20480xf32, #tpu.memory_space<hbm>> -> memref<640xf32, #tpu.memory_space<hbm>>
      %dma_wait3A_138 = tpu.memref_slice %arg18[%mul3A_128] : memref<10240xf32, #tpu.memory_space<vmem_shared>> -> memref<640xf32, #tpu.memory_space<vmem_shared>>
      tpu.wait_dma2 semaphore(%run_scoped3A_134 : memref<!tpu.dma_semaphore, #tpu.memory_space<semaphore_mem>>) src(%dma_wait3A_138 : memref<640xf32, #tpu.memory_space<vmem_shared>>) dst(%dma_wait3A_137 : memref<640xf32, #tpu.memory_space<hbm>>)
      tpu.yield
    }) : () -> ()
    return
  }
}

module attributes {stable_mosaic.version = 14 : i64} {
  func.func @_matmul_body(%arg0: memref<10000x128xf32, #tpu.memory_space<vmem>>, %arg1: memref<128x128xf32, #tpu.memory_space<vmem>>, %arg2: memref<8x128xf32, #tpu.memory_space<vmem>>, %arg3: memref<10000x128xf32, #tpu.memory_space<vmem>>, %arg4: memref<8x10000xf32, #tpu.memory_space<vmem>>) attributes {dimension_semantics = [], scalar_prefetch = 0 : i64, scratch_operands = 0 : i64, tpu.core_type = #tpu.core_type<tc>} {
    %get3A = arith.constant 0 : index
    %get3A_0 = arith.constant 0 : index
    %get3A_1 = vector.load %arg0[%get3A, %get3A_0] : memref<10000x128xf32, #tpu.memory_space<vmem>>, vector<10000x128xf32>
    %get3A_2 = arith.constant 0 : index
    %get3A_3 = arith.constant 0 : index
    %get3A_4 = vector.load %arg1[%get3A_2, %get3A_3] : memref<128x128xf32, #tpu.memory_space<vmem>>, vector<128x128xf32>
    %dot_general3A = arith.constant dense<0.000000e+00> : vector<10000x128xf32>
    %dot_general3A_5 = tpu.matmul %get3A_1, %get3A_4, %dot_general3A {dimension_numbers = #tpu.dot_dimension_numbers<[1], [1], [0], [0], [0, 0, 1, 0], [], []>, transpose_lhs_hint = false} : vector<10000x128xf32>, vector<128x128xf32>, vector<10000x128xf32> -> vector<10000x128xf32>
    %swap3A = arith.constant 0 : index
    %swap3A_6 = arith.constant 0 : index
    %swap3A_7 = vector.load %arg3[%swap3A, %swap3A_6] : memref<10000x128xf32, #tpu.memory_space<vmem>>, vector<10000x128xf32>
    tpu.vector_store %arg3[%swap3A, %swap3A_6], %dot_general3A_5 {strides = array<i32>} : memref<10000x128xf32, #tpu.memory_space<vmem>>, vector<10000x128xf32>,
    %get3A_8 = arith.constant 0 : index
    %get3A_9 = arith.constant 0 : index
    %get3A_10 = vector.load %arg2[%get3A_8, %get3A_9] : memref<8x128xf32, #tpu.memory_space<vmem>>, vector<8x128xf32>
    %dot_general3A_11 = arith.constant dense<0.000000e+00> : vector<8x10000xf32>
    %dot_general3A_12 = tpu.matmul %get3A_10, %dot_general3A_5, %dot_general3A_11 {dimension_numbers = #tpu.dot_dimension_numbers<[1], [1], [0], [0], [0, 0, 1, 0], [], []>, transpose_lhs_hint = false} : vector<8x128xf32>, vector<10000x128xf32>, vector<8x10000xf32> -> vector<8x10000xf32>
    %swap3A_13 = arith.constant 0 : index
    %swap3A_14 = arith.constant 0 : index
    %swap3A_15 = vector.load %arg4[%swap3A_13, %swap3A_14] : memref<8x10000xf32, #tpu.memory_space<vmem>>, vector<8x10000xf32>
    tpu.vector_store %arg4[%swap3A_13, %swap3A_14], %dot_general3A_12 {strides = array<i32>} : memref<8x10000xf32, #tpu.memory_space<vmem>>, vector<8x10000xf32>,
    return
  }
}

module attributes {stable_mosaic.version = 14 : i64} {
  func.func @_combine_body(%arg0: memref<2x10240x128xf32, #tpu.memory_space<vmem>>, %arg1: memref<2x10240xf32, #tpu.memory_space<vmem>>, %arg2: memref<10000x128xf32, #tpu.memory_space<vmem>>) attributes {dimension_semantics = [], scalar_prefetch = 0 : i64, scratch_operands = 0 : i64, tpu.core_type = #tpu.core_type<tc>} {
    %get3A = arith.constant 0 : index
    %get3A_0 = arith.constant 0 : index
    %get3A_1 = arith.constant 0 : index
    %get3A_2 = vector.load %arg0[%get3A, %get3A_0, %get3A_1] : memref<2x10240x128xf32, #tpu.memory_space<vmem>>, vector<1x10000x128xf32>
    %get3A_3 = vector.shape_cast %get3A_2 : vector<1x10000x128xf32> to vector<10000x128xf32>
    %get3A_4 = arith.constant 1 : index
    %get3A_5 = arith.constant 0 : index
    %get3A_6 = arith.constant 0 : index
    %get3A_7 = vector.load %arg0[%get3A_4, %get3A_5, %get3A_6] : memref<2x10240x128xf32, #tpu.memory_space<vmem>>, vector<1x10000x128xf32>
    %get3A_8 = vector.shape_cast %get3A_7 : vector<1x10000x128xf32> to vector<10000x128xf32>
    %add3A = arith.addf %get3A_3, %get3A_8 : vector<10000x128xf32>
    %get3A_9 = arith.constant 0 : index
    %get3A_10 = arith.constant 0 : index
    %get3A_11 = vector.load %arg1[%get3A_9, %get3A_10] : memref<2x10240xf32, #tpu.memory_space<vmem>>, vector<1x10000xf32>
    %get3A_12 = vector.shape_cast %get3A_11 : vector<1x10000xf32> to vector<10000xf32>
    %get3A_13 = arith.constant 1 : index
    %get3A_14 = arith.constant 0 : index
    %get3A_15 = vector.load %arg1[%get3A_13, %get3A_14] : memref<2x10240xf32, #tpu.memory_space<vmem>>, vector<1x10000xf32>
    %get3A_16 = vector.shape_cast %get3A_15 : vector<1x10000xf32> to vector<10000xf32>
    %add3A_17 = arith.addf %get3A_12, %get3A_16 : vector<10000xf32>
    %eq3A = arith.constant 0.000000e+00 : f32
    %eq3A_18 = vector.broadcast %eq3A : f32 to vector<10000xf32>
    %eq3A_19 = arith.cmpf oeq, %add3A_17, %eq3A_18 : vector<10000xf32>
    %jit3A = arith.constant 1.000000e+00 : f32
    %broadcast_in_dim3A = vector.broadcast %jit3A : f32 to vector<10000xf32>
    %select_n3A = arith.select %eq3A_19, %broadcast_in_dim3A, %add3A_17 : vector<10000xi1>, vector<10000xf32>
    %broadcast_in_dim3A_20 = vector.shape_cast %select_n3A : vector<10000xf32> to vector<10000x1xf32>
    %div3A = vector.broadcast %broadcast_in_dim3A_20 : vector<10000x1xf32> to vector<10000x128xf32>
    %div3A_21 = arith.divf %add3A, %div3A : vector<10000x128xf32>
    %swap3A = arith.constant 0 : index
    %swap3A_22 = arith.constant 0 : index
    %swap3A_23 = vector.load %arg2[%swap3A, %swap3A_22] : memref<10000x128xf32, #tpu.memory_space<vmem>>, vector<10000x128xf32>
    tpu.vector_store %arg2[%swap3A, %swap3A_22], %div3A_21 {strides = array<i32>} : memref<10000x128xf32, #tpu.memory_space<vmem>>, vector<10000x128xf32>,
    return
  }
}

</mosaic_0001>

<sc_bundles>
// kernel: kernel.5.cloned.1.call-start
scs
__scs_entry_jumppad:
0x0: {  	(pc) =	sbr.rel $0x88, $3  }
0x1: {  	(tag) =	ssettag $0x0;
	lr =	simm.s32 $0x1  }
0x2: {  	[smem:$0x3F9D] =	sst lr;
	_ =	strace $0xD0000000  }
0x3: {  	_ = 	snop  }
0x4: {  	_ = 	snop  }
0x5: {  	_ = 	snop  }
0x6: {  	_ = 	snop  }
0x7: {  	_ = 	snop  }
__scs_overlays_trampoline_lowered:
0x8: {  	[smem:$0x3FAC] =	sst s0  }
0x9: {  	[smem:$0x3FAD] =	sst s1  }
0xa: {  	[smem:$0x3FAE] =	sst s2  }
0xb: {  	[smem:$0x3FAF] =	sst s3  }
0xc: {  	[smem:$0x3FB0] =	sst s4  }
0xd: {  	[smem:$0x3FB1] =	sst s5  }
0xe: {  	[smem:$0x3FB2] =	sst s6  }
0xf: {  	[smem:$0x3FB3] =	sst s7  }
0x10: {  	[smem:$0x3FB4] =	sst s8  }
0x11: {  	[smem:$0x3FB5] =	sst s9;
	s0 =	simm.s32 @!p0 $0x0  }
0x12: {  	s1 =	sld [smem:$0x3F9B];
	s0 =	simm.s32 @p0 $0x1  }
0x13: {  	[smem:$0x3FB6] =	sst s0;
	s0 =	simm.s32 @!p1 $0x0  }
0x14: {  	s2 =	sld [smem:$0x3F9A];
	s0 =	simm.s32 @p1 $0x1  }
0x15: {  	[smem:$0x3FB7] =	sst s0;
	s0 =	simm.s32 @!p2 $0x0  }
0x16: {  	s3 =	sld [smem:$0x3FDB];
	s0 =	simm.s32 @p2 $0x1  }
0x17: {  	s4 =	simm.s32 $0x1BF5;
	[smem:$0x3FB9] =	sst s0  }
0x18: {  	s0 =	sld [smem:$0x3F9C];
	_ =	swait.ge [sflag:s4], $0x0  }
0x19: {  	s7 =	sld [smem:$0x3F9D]  }
0x1a: {  	s8 =	sadd.s32 $0xFFFFE003, lr  }
0x1b: {  	s9 =	sadd.s32 $0xFFFFFEF7, lr;
	s5 =	simm.s32 $0xFFFFFFFF;
	p2 =	slt.u32 s8, $0xFFFFF086  }
0x1c: {  	p1 =	slt.u32 s9, $0xF7A;
	s5 =	simm.s32 @!p2 $0x0  }
0x1d: {  	s5 =	simm.s32 @p1 $0x1;
	p0 =	seq.s32 s7, s2  }
0x1e: {  	s7 =	smul.u32 @!p0 $0xF7A, s2;
	p2 =	seq.s32 @!p0 s5, $0x0  }
0x1f: {  	s9 =	smul.u32 $0xF7A, s1;
	s8 =	simm.s32 @!p0 $0x1BF5;
	p2 =	por !p2, p0  }
0x20: {  	[sflag:s8] =	ssyncset.s32 @!p0 $0xFFFFF086;
	s6 =	sadd.s32 @!p0 s3, s7;
	s7 =	simm.s32 @!p0 $0x108  }
0x21: {  	s3 =	sadd.s32 s3, s9;
	s6 =	sadd.s32 @!p0 $0x88, s6;
	s7 =	simm.s32 @p2 $0x1082  }
0x22: {  	[simem:s7], [sflag:s8] =	dma.local @!p0 [hbm:s6], $0xF7A  }
0x23: {  	s9 =	sor.u32 $0xD0000000, s2;
	s6 =	simm.s32 $0x108;
	_ =	swait.ge @!p0 [sflag:s8], $0x0  }
0x24: {  	s3 =	sadd.s32 $0x88, s3;
	s6 =	simm.s32 @!p1 $0x1082;
	[sflag:s4] =	ssyncset.s32 $0xFFFFF086  }
0x25: {  	[simem:s6], [sflag:s4] =	dma.local [hbm:s3], $0xF7A  }
0x26: {  	[smem:$0x3F9D] =	sst s1;
	(tag) =	ssettag s2;
	_ =	strace s9  }
0x27: {  	s1 =	sld [smem:$0x3FAD]  }
0x28: {  	s2 =	sld [smem:$0x3FAE]  }
0x29: {  	s4 =	sld [smem:$0x3FB0]  }
0x2a: {  	p0 =	seq.s32 s5, $0x0;
	s5 =	sld [smem:$0x3FB1]  }
0x2b: {  	s6 =	sld [smem:$0x3FB2]  }
0x2c: {  	s7 =	sld [smem:$0x3FB3]  }
0x2d: {  	s3 =	simm.s32 $0x108;
	s8 =	sld [smem:$0x3FB4]  }
0x2e: {  	s3 =	simm.s32 @!p0 $0x1082;
	s9 =	sld [smem:$0x3FB5]  }
0x2f: {  	lr =	sadd.s32 s0, s3;
	s0 =	sld [smem:$0x3FAC]  }
0x30: {  	s3 =	sld [smem:$0x3FAF]  }
0x31: {  	[smem:$0x3FB8] =	sst s10  }
0x32: {  	s10 =	sld [smem:$0x3FB6];
	_ =	sdelay $0x3  }
0x33: {  	p0 =	seq.s32 s10, $0x1;
	s10 =	sld [smem:$0x3FB8];
	_ =	sdelay $0x3  }
0x34: {  	[smem:$0x3FB8] =	sst s10  }
0x35: {  	s10 =	sld [smem:$0x3FB7];
	_ =	sdelay $0x3  }
0x36: {  	p1 =	seq.s32 s10, $0x1;
	s10 =	sld [smem:$0x3FB8];
	_ =	sdelay $0x3  }
0x37: {  	[smem:$0x3FB8] =	sst s10  }
0x38: {  	s10 =	sld [smem:$0x3FB9]  }
0x39: {  	_ = 	snop;
	(pc) =	sbr.ind lr, $3  }
0x3a: {  	_ = 	snop  }
0x3b: {  	_ = 	snop  }
0x3c: {  	p2 =	seq.s32 s10, $0x1;
	s10 =	sld [smem:$0x3FB8]  }
0x3d: {  	_ =	shalt  }
0x3e: {  	_ =	shalt  }
0x3f: {  	_ =	shalt  }
0x40: {  	_ =	shalt  }
0x41: {  	_ =	shalt  }
0x42: {  	_ =	shalt  }
0x43: {  	_ =	shalt  }
0x44: {  	_ =	shalt  }
0x45: {  	_ =	shalt  }
0x46: {  	_ =	shalt  }
0x47: {  	_ =	shalt  }
0x48: {  	_ =	shalt  }
0x49: {  	_ =	shalt  }
0x4a: {  	_ =	shalt  }
0x4b: {  	_ =	shalt  }
0x4c: {  	_ =	shalt  }
0x4d: {  	_ =	shalt  }
0x4e: {  	_ =	shalt  }
0x4f: {  	_ =	shalt  }
0x50: {  	_ =	shalt  }
0x51: {  	_ =	shalt  }
0x52: {  	_ =	shalt  }
0x53: {  	_ =	shalt  }
0x54: {  	_ =	shalt  }
0x55: {  	_ =	shalt  }
0x56: {  	_ =	shalt  }
0x57: {  	_ =	shalt  }
0x58: {  	_ =	shalt  }
0x59: {  	_ =	shalt  }
0x5a: {  	_ =	shalt  }
0x5b: {  	_ =	shalt  }
0x5c: {  	_ =	shalt  }
0x5d: {  	_ =	shalt  }
0x5e: {  	_ =	shalt  }
0x5f: {  	_ =	shalt  }
0x60: {  	_ =	shalt  }
0x61: {  	_ =	shalt  }
0x62: {  	_ =	shalt  }
0x63: {  	_ =	shalt  }
0x64: {  	_ =	shalt  }
0x65: {  	_ =	shalt  }
0x66: {  	_ =	shalt  }
0x67: {  	_ =	shalt  }
0x68: {  	_ =	shalt  }
0x69: {  	_ =	shalt  }
0x6a: {  	_ =	shalt  }
0x6b: {  	_ =	shalt  }
0x6c: {  	_ =	shalt  }
0x6d: {  	_ =	shalt  }
0x6e: {  	_ =	shalt  }
0x6f: {  	_ =	shalt  }
0x70: {  	_ =	shalt  }
0x71: {  	_ =	shalt  }
0x72: {  	_ =	shalt  }
0x73: {  	_ =	shalt  }
0x74: {  	_ =	shalt  }
0x75: {  	_ =	shalt  }
0x76: {  	_ =	shalt  }
0x77: {  	_ =	shalt  }
0x78: {  	_ =	shalt  }
0x79: {  	_ =	shalt  }
0x7a: {  	_ =	shalt  }
0x7b: {  	_ =	shalt  }
0x7c: {  	_ =	shalt  }
0x7d: {  	_ =	shalt  }
0x7e: {  	_ =	shalt  }
0x7f: {  	_ =	shalt  }
0x80: {  	_ =	shalt  }
0x81: {  	_ =	shalt  }
0x82: {  	_ =	shalt  }
0x83: {  	_ =	shalt  }
0x84: {  	_ =	shalt  }
0x85: {  	_ =	shalt  }
0x86: {  	_ =	shalt  }
0x87: {  	_ =	shalt  }
.Lfunc_end0:
.L_simem_size_0:
called_computation_lowered:
.L_overlay_start_0:
0x88: {  	s2 =	sld [smem:$0x3FD9]  }
0x89: {  	s3 =	sld [smem:$0x3FFE];
	_ =	sdelay $0x1  }
0x8a: {  	s1 =	srdreg.scid  }
0x8b: {  	s0 =	sand.u32 $0x1, s1  }
0x8c: {  	s17 =	sshll.u32 s0, $0xA;
	s2 =	sadd.s32 s3, s2  }
0x8d: {  	s2 =	sadd.s32 s2, s17  }
0x8e: {  	[smem:$0x3FC4] =	sst s2  }
0x8f: {  	_ = 	snop  }
0x90: {  	s2 =	sld [smem:$0x3FD0];
	(tm) =	ssettm $0x1  }
0x91: {  	s18 =	sld [smem:$0x3FFB];
	_ =	sdelay $0x3  }
0x92: {  	_ =	strace s18  }
0x93: {  	s3 =	sld [smem:$0x3FFC];
	_ =	sdelay $0x3  }
0x94: {  	_ =	strace s3  }
0x95: {  	s3 =	sld [smem:$0x3FFD];
	_ =	sdelay $0x3  }
0x96: {  	_ =	strace s3  }
0x97: {  	_ =	strace $0x8FFFFFFF  }
0x98: {  	s19 =	sld [smem:$0x3FDB];
	_ =	sdelay $0x1  }
0x99: {  	s4 =	simm.s32 $_scs_section_size  }
0x9a: {  	s5 =	simm.s32 $_size__tile_overlayer_lowered;
	s6 =	simm.s32 $_tile_overlayer_lowered  }
0x9b: {  	s22 =	simm.s32 $0x1BFF;
	s21 =	sshll.u32 s6, $0x1;
	s3 =	sadd.s32 s4, s19  }
0x9c: {  	s7 =	simm.s32 $0x0;
	s20 =	sshll.u32 s5, $0x1;
	s5 =	sadd.s32 s21, s3  }
0x9d: {  	[timem:s7], [sflag:s22] =	dma.local [hbm:s5], s20  }
0x9e: {  	_ =	swait.ge [sflag:s22], s20  }
0x9f: {  	s4 =	ssub.s32 $0x0, s20;
	[sflag:s22] =	ssyncset.done $0x0  }
0xa0: {  	[sflag:s22] =	ssyncadd.s32 s4;
	_ =	sdelay $0x1  }
0xa1: {  	s23 =	simm.s32 $0x1B8B  }
0xa2: {  	_ =	swait.ge [sflag:s23], $0x1  }
0xa3: {  	[sflag:s23] =	ssyncset.done $0x0  }
0xa4: {  	s25 =	simm.s32 $0x1B8E;
	s24 =	sld [smem:$0x3FFE];
	[sflag:s23] =	ssyncadd.s32 $0xFFFFFFFF  }
0xa5: {  	s26 =	simm.s32 $execute0_lowered;
	[smem:$0x3FD2] =	sst s25  }
0xa6: {  	s5 =	sshll.u32 s26, $0x1;
	_ =	strace $0x80000046;
	[dreg:$0x1] =	wrdreg $0xFFFFFFFF  }
0xa7: {  	s28 =	simm.s32 $_size_execute0_lowered;
	s3 =	sadd.s32 s3, s5;
	[dreg:$0x0] =	wrdreg $0x0  }
0xa8: {  	s5 =	sshll.u32 s28, $0x1;
	[dreg:$0x2] =	wrdreg s3  }
0xa9: {  	[dreg:$0x3] =	wrdreg s5  }
0xaa: {  	[dreg:$0x4] =	wrdreg $0xC0  }
0xab: {  	_ =	task [dreg:s7], $0x5FFFF  }
0xac: {  	[dreg:$0x1] =	wrdreg $0xFFFFFFFF  }
0xad: {  	[dreg:$0x0] =	wrdreg $0x60  }
0xae: {  	[dreg:$0x2] =	wrdreg s24  }
0xaf: {  	[dreg:$0x3] =	wrdreg s2  }
0xb0: {  	[dreg:$0x4] =	wrdreg $0x97F00  }
0xb1: {  	[dreg:$0x5] =	wrdreg $0x1D7F00  }
0xb2: {  	[dreg:$0x6] =	wrdreg $0x93000  }
0xb3: {  	[dreg:$0x7] =	wrdreg $0x95780  }
0xb4: {  	[dreg:$0x8] =	wrdreg $0x9  }
0xb5: {  	_ =	task.clear_ibuf [dreg:s7], $0x9FFFF;
	_ =	strace $0x90000046  }
0xb6: {  	s29 =	simm.s32 $0x9;
	_ =	strace $0x80000048  }
0xb7: {  	_ =	swait.ge [sflag:s29], $0x1  }
0xb8: {  	[sflag:s29] =	ssyncadd.s32 $0xFFFFFFFF  }
0xb9: {  	_ =	strace $0x90000048  }
0xba: {  	_ =	sfence  }
0xbb: {  	s30 =	sld [smem:$0x0];
	_ =	sdelay $0x2  }
0xbc: {  	s31 =	sshll.u32 s1, $0xD;
	s1 =	sshrl.u32 s1, $0x2  }
0xbd: {  	s3 =	sand.u32 $0x4000, s31;
	s1 =	sadd.s32 s1, s30  }
0xbe: {  	s0 =	sor.u32 s3, s0;
	s1 =	sshll.u32 s1, $0x11  }
0xbf: {  	s0 =	sor.u32 s1, s0  }
0xc0: {  	s0 =	sadd.s32 $0x8F2B, s0  }
0xc1: {  	[sflag:s0] =	ssyncadd.remote.s32 $0x1  }
0xc2: {  	_ =	sfence.sel $0xFFFF  }
0xc3: {  	[dreg:$0x0] =	wrdreg $0xFFFFFFFF;
	(pc) =	sbr.abs _section_cstart, $3  }
0xc4: {  	[dreg:$0x1] =	wrdreg $0xFFFFFFFF  }
0xc5: {  	_ =	task.clear_ibuf [dreg:s7], $0x2FFFF;
	_ =	strace $0x9FFFFFFF  }
0xc6: {  	(tm) =	ssettm $0x7FFFFFFF  }
0xc7: {  	_ =	shalt  }
tec
execute0_lowered:
.L_overlay_start_1:
0x0: {  	(tag) =	ssettag $0x1  }
0x1: {  	s0 =	srdreg.scid;
	s1 =	rddreg [dreg:$0x0]  }
0x2: {  	s25 =	stileid.u32;
	s2 =	rddreg [dreg:$0x2]  }
0x3: {  	s6 =	rddreg [dreg:$0x5];
	s7 =	simm.s32 $0x0;
	s28 =	simm.s32 $0x2800  }
0x4: {  	s29 =	simm.s32 $0x80;
	s30 =	simm.s32 $0x9100;
	s10 =	smul.u32 $0x14000, s25  }
0x5: {  	s4 =	sand.u32 $0x1, s0;
	s0 =	rddreg [dreg:$0x1];
	s11 =	smul.u32 $0x280, s25  }
0x6: {  	s31 =	simm.s32 $0x9200;
	[smem:$0x7FF] =	sst s7;
	s16 =	smul.u32 $0x50000, s25  }
0x7: {  	s12 =	sadd.s32 $0x1000, s1;
	p0 =	sne.s32 s25, $0x0;
	s9 =	smul.u32 $0x140000, s4  }
0x8: {  	s3 =	sshll.u32 s4, $0x4;
	s14 =	smul.u32 $0x2800, s4;
	s4 =	ssub.s32 $0x2, s4  }
0x9: {  	s5 =	sor.u32 s25, s3;
	s3 =	rddreg [dreg:$0x3];
	s17 =	sshrl.u32 s4, $0x1  }
0xa: {  	s18 =	sshrl.u32 s16, $0x2;
	s20 =	sadd.s32 $0x100, s11;
	s16 =	sadd.s32 $0x180, s11  }
0xb: {  	s25 =	simm.s32 $0x5000;
	s8 =	smul.u32 $0x500, s5;
	s5 =	rddreg [dreg:$0x4]  }
0xc: {  	s9 =	sadd.s32 s10, s9;
	_ =	strace $0x80000047;
	[dreg:$0x7] =	wrdreg s12  }
0xd: {  	s15 =	sadd.s32 s11, s14;
	s4 =	ssub.s32 s4, s17;
	s14 =	sshll.u32 s20, $0x7  }
0xe: {  	s17 =	sadd.s32 $0x200, s11;
	s21 =	sshll.u32 s16, $0x7;
	s24 =	sadd.s32 s16, s3  }
0xf: {  	s9 =	sshrl.u32 s9, $0x3;
	s14 =	sadd.s32 s14, s2;
	[dreg:$0xe] =	wrdreg s24  }
0x10: {  	s26 =	sadd.s32 s17, s3;
	s24 =	smax.u32 s4, $0x1;
	s4 =	simm.s32 $0x9280  }
0x11: {  	s8 =	sadd.s32 s8, s1;
	s12 =	sadd.s32 s9, s1;
	s9 =	sshrl.u32 s15, $0x3  }
0x12: {  	s15 =	sadd.s32 $0x80, s11;
	[dreg:$0x9] =	wrdreg s14;
	s14 =	sadd.s32 s21, s2  }
0x13: {  	[dreg:$0xf] =	wrdreg s26;
	s26 =	simm.s32 $0x3;
	s13 =	sadd.s32 s9, s1  }
0x14: {  	s19 =	sshll.u32 s15, $0x7;
	s9 =	sadd.s32 s18, s2;
	s18 =	sshll.u32 s17, $0x7  }
0x15: {  	[dreg:$0xa] =	wrdreg s14;
	s14 =	sadd.s32 s11, s3;
	s23 =	sadd.s32 s15, s3  }
0x16: {  	s21 =	sadd.s32 $0xD800, s8;
	s10 =	sadd.s32 s19, s2;
	[dreg:$0xc] =	wrdreg s23  }
0x17: {  	s22 =	sadd.s32 s18, s2;
	s19 =	sadd.s32 $0x1010, s1;
	[dreg:$0x8] =	wrdreg s10  }
0x18: {  	s23 =	sadd.s32 $0x17800, s13;
	s1 =	simm.s32 $0x2;
	[dreg:$0xb] =	wrdreg s22  }
0x19: {  	s10 =	sadd.s32 s20, s3;
	s20 =	sadd.s32 $0x3800, s8;
	s22 =	sadd.s32 $0x18200, s12  }
0x1a: {  	v0 =	vimm.f32 $0.0e+00;
	s8 =	simm.s32 $0x9000;
	[dreg:$0xd] =	wrdreg s10;
	s10 =	simm.s32 $0x1  }
.LBB2_1:
0x1b: {  	s11 =	simm.s32 $0x0;
	s12 =	simm.s32 $0x200  }
.LBB2_2:
0x1c: {  	p1 =	sne.s32 s12, $0xFE00;
	[tilespmem:s11+$0x5070] =	vst v0  }
0x1d: {  	[tilespmem:s11+$0x5000] =	vst v0  }
0x1e: {  	[tilespmem:s11+$0x5010] =	vst v0  }
.Ltmp0:
0x1f: {  	[tilespmem:s11+$0x5020] =	vst v0;
	(pc) =	sbr.rel @p1 .LBB2_2-.Ltmp0, $4  }
0x20: {  	[tilespmem:s11+$0x5030] =	vst v0  }
0x21: {  	[tilespmem:s11+$0x5040] =	vst v0  }
0x22: {  	[tilespmem:s11+$0x5050] =	vst v0  }
0x23: {  	[tilespmem:s11+$0x5060] =	vst v0;
	s11 =	sshra.s32 s12, $0x2;
	s12 =	sadd.s32 $0x200, s12  }
0x24: {  	[tilespmem:s11+$0x5070] =	vst v0  }
0x25: {  	[tilespmem:s11+$0x5000] =	vst v0  }
0x26: {  	[tilespmem:s11+$0x5010] =	vst v0  }
0x27: {  	[tilespmem:s11+$0x5020] =	vst v0  }
0x28: {  	[tilespmem:s11+$0x5030] =	vst v0  }
0x29: {  	[tilespmem:s11+$0x5040] =	vst v0  }
0x2a: {  	[tilespmem:s11+$0x5050] =	vst v0  }
0x2b: {  	[tilespmem:s11+$0x5060] =	vst v0  }
0x2c: {  	[spmem:s9] =	stream.linear.scatter [tilespmem:s25], [sflag:$0x3], $0x4000, $0x38;
	[tilespmem:$0x1DA70] =	vst v63  }
0x2d: {  	_ =	swait.ge [sflag:s26], $0x4000  }
0x2e: {  	[sflag:s26] =	ssyncset.done $0x0  }
0x2f: {  	s17 =	rddreg [dreg:$0x8];
	[sflag:s26] =	ssyncadd.s32 $0xFFFFC000  }
0x30: {  	[spmem:s17] =	stream.linear.scatter [tilespmem:s25], [sflag:$0x3], $0x4000, $0x38;
	[tilespmem:$0x1DA70] =	vst v63  }
0x31: {  	_ =	swait.ge [sflag:s26], $0x4000  }
0x32: {  	[sflag:s26] =	ssyncset.done $0x0  }
0x33: {  	s18 =	rddreg [dreg:$0x9];
	[sflag:s26] =	ssyncadd.s32 $0xFFFFC000  }
0x34: {  	[spmem:s18] =	stream.linear.scatter [tilespmem:s25], [sflag:$0x3], $0x4000, $0x38;
	[tilespmem:$0x1DA70] =	vst v63  }
0x35: {  	_ =	swait.ge [sflag:s26], $0x4000  }
0x36: {  	[sflag:s26] =	ssyncset.done $0x0  }
0x37: {  	s12 =	rddreg [dreg:$0xa];
	[sflag:s26] =	ssyncadd.s32 $0xFFFFC000  }
0x38: {  	[spmem:s12] =	stream.linear.scatter [tilespmem:s25], [sflag:$0x3], $0x4000, $0x38;
	[tilespmem:$0x1DA70] =	vst v63  }
0x39: {  	_ =	swait.ge [sflag:s26], $0x4000  }
0x3a: {  	[sflag:s26] =	ssyncset.done $0x0  }
0x3b: {  	s13 =	rddreg [dreg:$0xb];
	[sflag:s26] =	ssyncadd.s32 $0xFFFFC000  }
0x3c: {  	[spmem:s13] =	stream.linear.scatter [tilespmem:s25], [sflag:$0x3], $0x4000, $0x38;
	[tilespmem:$0x1DA70] =	vst v63  }
0x3d: {  	_ =	swait.ge [sflag:s26], $0x4000  }
0x3e: {  	[sflag:s26] =	ssyncset.done $0x0  }
0x3f: {  	[sflag:s26] =	ssyncadd.s32 $0xFFFFC000  }
0x40: {  	[spmem:s14] =	stream.linear.scatter [tilespmem:s25], [sflag:$0x3], $0x80, $0x38;
	[tilespmem:$0x1DA70] =	vst v63  }
0x41: {  	_ =	swait.ge [sflag:s26], $0x80  }
0x42: {  	[sflag:s26] =	ssyncset.done $0x0  }
0x43: {  	s15 =	rddreg [dreg:$0xc];
	[sflag:s26] =	ssyncadd.s32 $0xFFFFFF80  }
0x44: {  	[spmem:s15] =	stream.linear.scatter [tilespmem:s25], [sflag:$0x3], $0x80, $0x38;
	[tilespmem:$0x1DA70] =	vst v63  }
0x45: {  	_ =	swait.ge [sflag:s26], $0x80  }
0x46: {  	[sflag:s26] =	ssyncset.done $0x0  }
0x47: {  	s16 =	rddreg [dreg:$0xd];
	[sflag:s26] =	ssyncadd.s32 $0xFFFFFF80  }
0x48: {  	[spmem:s16] =	stream.linear.scatter [tilespmem:s25], [sflag:$0x3], $0x80, $0x38;
	[tilespmem:$0x1DA70] =	vst v63  }
0x49: {  	_ =	swait.ge [sflag:s26], $0x80  }
0x4a: {  	[sflag:s26] =	ssyncset.done $0x0  }
0x4b: {  	s17 =	rddreg [dreg:$0xe];
	[sflag:s26] =	ssyncadd.s32 $0xFFFFFF80  }
0x4c: {  	[spmem:s17] =	stream.linear.scatter [tilespmem:s25], [sflag:$0x3], $0x80, $0x38;
	[tilespmem:$0x1DA70] =	vst v63  }
0x4d: {  	_ =	swait.ge [sflag:s26], $0x80  }
0x4e: {  	[sflag:s26] =	ssyncset.done $0x0  }
0x4f: {  	s18 =	rddreg [dreg:$0xf];
	[sflag:s26] =	ssyncadd.s32 $0xFFFFFF80  }
0x50: {  	[spmem:s18] =	stream.linear.scatter [tilespmem:s25], [sflag:$0x3], $0x80, $0x38;
	[tilespmem:$0x1DA70] =	vst v63  }
0x51: {  	s11 =	sshrl.u32 @!p0 s5, $0x3;
	s12 =	simm.s32 @!p0 $0x1;
	_ =	swait.ge [sflag:s26], $0x80  }
0x52: {  	s13 =	simm.s32 @!p0 $0x10;
	s15 =	simm.s32 @!p0 $0x80;
	[sflag:s26] =	ssyncset.done $0x0  }
0x53: {  	s16 =	simm.s32 @!p0 $0x1C03;
	s17 =	rddreg [dreg:$0x7];
	[sflag:s26] =	ssyncadd.s32 $0xFFFFFF80  }
0x54: {  	[spmem:s11@s13], [sflag:s16] =	dma.strided @!p0 [hbm:s17@s15], $0x4F0, s12, $0x10   }
0x55: {  	s11 =	simm.s32 @!p0 $0x3  }
0x56: {  	_ =	swait.ge @!p0 [sflag:s11], $0x4F0  }
0x57: {  	[sflag:s11] =	ssyncset.done @!p0 $0x0  }
0x58: {  	s17 =	sshrl.u32 @!p0 s6, $0x3;
	[sflag:s11] =	ssyncadd.s32 @!p0 $0xFFFFFB10  }
0x59: {  	[spmem:s17@s13], [sflag:s16] =	dma.strided @!p0 [hbm:s19@s15], $0x4F0, s12, $0x10   }
0x5a: {  	_ =	swait.ge @!p0 [sflag:s11], $0x4F0  }
0x5b: {  	[sflag:s11] =	ssyncset.done @!p0 $0x0  }
0x5c: {  	[sflag:s11] =	ssyncadd.s32 @!p0 $0xFFFFFB10;
	s11 =	simm.s32 $0x0  }
0x5d: {  	[tilespmem:s11], [sflag:$0x3] =	stream.linear.gather [hbm4b:s20+s11], $0x2800, $0x38;
	[tilespmem:$0x1DA70] =	vst v63  }
0x5e: {  	_ =	swait.ge [sflag:s26], $0x2800  }
0x5f: {  	[sflag:s26] =	ssyncset.done $0x0  }
0x60: {  	[sflag:s26] =	ssyncadd.s32 $0xFFFFD800  }
0x61: {  	[tilespmem:s28], [sflag:$0x3] =	stream.linear.gather [hbm4b:s21+s11], $0x2800, $0x38;
	[tilespmem:$0x1DA70] =	vst v63  }
0x62: {  	_ =	swait.ge [sflag:s26], $0x2800  }
0x63: {  	[sflag:s26] =	ssyncset.done $0x0  }
0x64: {  	[sflag:s26] =	ssyncadd.s32 $0xFFFFD800  }
0x65: {  	[tilespmem:$0x9000] =	vst v0  }
0x66: {  	[tilespmem:$0x9100] =	vst v0  }
0x67: {  	[tilespmem:$0x9010] =	vst v0  }
0x68: {  	[tilespmem:$0x9110] =	vst v0  }
0x69: {  	[tilespmem:$0x9020] =	vst v0  }
0x6a: {  	[tilespmem:$0x9120] =	vst v0  }
0x6b: {  	[tilespmem:$0x9030] =	vst v0  }
0x6c: {  	[tilespmem:$0x9130] =	vst v0  }
0x6d: {  	[tilespmem:$0x9040] =	vst v0  }
0x6e: {  	[tilespmem:$0x9140] =	vst v0  }
0x6f: {  	[tilespmem:$0x9050] =	vst v0  }
0x70: {  	[tilespmem:$0x9150] =	vst v0  }
0x71: {  	[tilespmem:$0x9060] =	vst v0  }
0x72: {  	[tilespmem:$0x9160] =	vst v0  }
0x73: {  	[tilespmem:$0x9070] =	vst v0  }
0x74: {  	[tilespmem:$0x9170] =	vst v0  }
0x75: {  	[tilespmem:$0x9080] =	vst v0  }
0x76: {  	[tilespmem:$0x9180] =	vst v0  }
0x77: {  	[bflag:$0x0] =	sbarrier.arrive $0xFFFF  }
0x78: {  	[spmem:s2] =	stream.indirect.scatter.add.f32 [tilespmem:s25], [sflag:$0x2], $0x80, s28, s29, $0xb8;
	[tilespmem:$0x1DA70] =	vst v63  }
0x79: {  	_ = 	snop  }
0x7a: {  	[spmem:s3] =	stream.indirect.scatter.add.f32 [tilespmem:s30], [sflag:$0x2], $0x1, s28, s29, $0xb8;
	[tilespmem:$0x1DA70] =	vst v63  }
.LBB2_4:
0x7b: {  	s12 =	sshll.u32 s11, $0x8  }
0x7c: {  	[tilespmem:s31], [sflag:$0x3] =	stream.indirect.gather [spmem:s5], $0x1, s12, s29, $0xb8;
	[tilespmem:$0x1DA70] =	vst v63  }
0x7d: {  	_ =	swait.ge [sflag:s26], $0x80  }
0x7e: {  	[sflag:s26] =	ssyncset.done $0x0  }
0x7f: {  	s13 =	sadd.s32 $0x2800, s12;
	[sflag:s26] =	ssyncadd.s32 $0xFFFFFF80  }
0x80: {  	[tilespmem:s4], [sflag:$0x3] =	stream.indirect.gather [spmem:s6], $0x1, s13, s29, $0xb8;
	[tilespmem:$0x1DA70] =	vst v63  }
0x81: {  	_ =	swait.ge [sflag:s26], $0x80  }
0x82: {  	[sflag:s26] =	ssyncset.done $0x0  }
0x83: {  	[sflag:s26] =	ssyncadd.s32 $0xFFFFFF80  }
0x84: {  	v1 =	vld [tilespmem:$0x9200]  }
0x85: {  	v2 =	vld [tilespmem:$0x9280]  }
0x86: {  	v3 =	vld [tilespmem:$0x9210]  }
0x87: {  	v4 =	vld [tilespmem:$0x9290]  }
0x88: {  	v5 =	vld [tilespmem:$0x9220]  }
0x89: {  	v6 =	vld [tilespmem:$0x92A0]  }
0x8a: {  	v7 =	vld [tilespmem:$0x92B0];
	v1 =	vadd.f32 v2, v1  }
0x8b: {  	v2 =	vld [tilespmem:$0x9230]  }
0x8c: {  	v8 =	vmul.f32 $9.999999770e-03, v1  }
0x8d: {  	v9 =	vld [tilespmem:$0x9240];
	vm0 =	vge.f32 v1, $0.0e+00  }
0x8e: {  	v10 =	vld [tilespmem:$0x92C0];
	v3 =	vadd.f32 v4, v3;
	v1 =	vsel vm0, v1, v8  }
0x8f: {  	v4 =	vld [tilespmem:$0x9250];
	v1 =	vmul.f32 $1.442695020e+00, v1  }
0x90: {  	v5 =	vadd.f32 v6, v5;
	v6 =	vld [tilespmem:$0x92D0];
	v8 =	vmul.f32 $9.999999770e-03, v3;
	v2 =	vadd.f32 v7, v2  }
0x91: {  	v11 =	vld [tilespmem:$0x92E0];
	vm9 =	vge.f32 v3, $0.0e+00;
	(erf) = vpow2.f32 v1  }
0x92: {  	v12 =	vld [tilespmem:$0x9270];
	v3 =	vsel vm9, v3, v8;
	v1 =	vmul.f32 $9.999999770e-03, v5;
	v8 =	vmul.f32 $9.999999770e-03, v2  }
0x93: {  	vm10 =	vge.f32 v5, $0.0e+00;
	v7 =	vld [tilespmem:$0x9260];
	v3 =	vmul.f32 $1.442695020e+00, v3;
	vm11 =	vge.f32 v2, $0.0e+00  }
0x94: {  	v1 =	vsel vm10, v5, v1;
	v5 =	vld [tilespmem:$0x92F0];
	v2 =	vsel vm11, v2, v8  }
0x95: {  	(erf) = vpow2.f32 v3;
	v3 =	vadd.f32 v6, v4;
	v1 =	vmul.f32 $1.442695020e+00, v1  }
0x96: {  	v8 =	vadd.f32 v10, v9;
	v2 =	vmul.f32 $1.442695020e+00, v2  }
0x97: {  	v4 =	vmul.f32 $9.999999770e-03, v3;
	(erf) = vpow2.f32 v1  }
0x98: {  	v1 =	vmul.f32 $9.999999770e-03, v8;
	(erf) = vpow2.f32 v2;
	v2 =	vadd.f32 v11, v7  }
0x99: {  	vm12 =	vge.f32 v8, $0.0e+00;
	vm13 =	vge.f32 v3, $0.0e+00;
	v5 =	vadd.f32 v5, v12  }
0x9a: {  	v3 =	vsel vm13, v3, v4;
	v1 =	vsel vm12, v8, v1;
	v6 =	vmul.f32 $9.999999770e-03, v2  }
0x9b: {  	v1 =	vmul.f32 $1.442695020e+00, v1;
	vm14 =	vge.f32 v2, $0.0e+00;
	v4 =	vmul.f32 $9.999999770e-03, v5  }
0x9c: {  	v3 =	vmul.f32 $1.442695020e+00, v3;
	vm15 =	vge.f32 v5, $0.0e+00;
	v2 =	vsel vm14, v2, v6  }
0x9d: {  	(erf) = vpow2.f32 v1;
	v1 =	vmul.f32 $1.442695020e+00, v2;
	v2 =	vsel vm15, v5, v4  }
0x9e: {  	(erf) = vpow2.f32 v3;
	v2 =	vmul.f32 $1.442695020e+00, v2  }
0x9f: {  	(erf) = vpow2.f32 v1  }
0xa0: {  	(erf) = vpow2.f32 v2;
	_ =	sdelay $0x1  }
0xa1: {  	v1 =	vpop (erf)  }
0xa2: {  	v2 =	vpop (erf);
	[tilespmem:$0x9000] =	vst v1  }
0xa3: {  	v1 =	vpop (erf);
	[tilespmem:$0x9010] =	vst v2  }
0xa4: {  	v2 =	vpop (erf);
	[tilespmem:$0x9020] =	vst v1  }
0xa5: {  	v1 =	vpop (erf);
	[tilespmem:$0x9030] =	vst v2  }
0xa6: {  	v2 =	vpop (erf);
	[tilespmem:$0x9040] =	vst v1  }
0xa7: {  	[tilespmem:$0x9050] =	vst v2;
	v1 =	vpop (erf)  }
0xa8: {  	[tilespmem:$0x9060] =	vst v1;
	v1 =	vpop (erf)  }
0xa9: {  	[tilespmem:$0x9070] =	vst v1  }
0xaa: {  	_ =	swait.ge [sflag:s1], $0x4000  }
0xab: {  	[sflag:s1] =	ssyncset.done $0x0  }
0xac: {  	[sflag:s1] =	ssyncadd.s32 $0xFFFFC000  }
0xad: {  	_ =	swait.ge [sflag:s1], $0x80  }
0xae: {  	[sflag:s1] =	ssyncset.done $0x0  }
0xaf: {  	[sflag:s1] =	ssyncadd.s32 $0xFFFFFF80  }
0xb0: {  	[tilespmem:s25], [sflag:$0x3] =	stream.indirect.gather [hbm4b:s0+s29], $0x80, s12, s29, $0xb8;
	[tilespmem:$0x1DA70] =	vst v63  }
0xb1: {  	_ =	swait.ge [sflag:s26], $0x4000  }
0xb2: {  	[sflag:s26] =	ssyncset.done $0x0  }
0xb3: {  	s16 =	simm.s32 $0x9004;
	[sflag:s26] =	ssyncadd.s32 $0xFFFFC000  }
0xb4: {  	s15 =	simm.s32 $0x5200;
	v1 =	vld.msk [tilespmem:s16+$0x3 ss:$0x0], $0xffff  }
0xb5: {  	v3 =	vld [tilespmem:s15+$0x1F0]  }
0xb6: {  	v2 =	vld.msk [tilespmem:s16+$0xFFFFFFFC ss:$0x0], $0xffff  }
0xb7: {  	v4 =	vld.msk [tilespmem:s16+$0xFFFFFFFD ss:$0x0], $0xffff  }
0xb8: {  	v5 =	vld [tilespmem:s15+$0xFFFFFE10]  }
0xb9: {  	v6 =	vld [tilespmem:s15+$0xFFFFFE20]  }
0xba: {  	v7 =	vld [tilespmem:s15+$0xFFFFFE30]  }
0xbb: {  	v8 =	vld [tilespmem:s15+$0xFFFFFE40]  }
0xbc: {  	v9 =	vld [tilespmem:s15+$0xFFFFFE50]  }
0xbd: {  	v10 =	vld [tilespmem:s15+$0xFFFFFE60]  }
0xbe: {  	v11 =	vld [tilespmem:s15+$0xFFFFFE70]  }
0xbf: {  	v51 =	vld [tilespmem:s15+$0xFFFFFE80]  }
0xc0: {  	v13 =	vld [tilespmem:s15+$0xFFFFFE90]  }
0xc1: {  	v15 =	vld [tilespmem:s15+$0xFFFFFEB0]  }
0xc2: {  	v16 =	vld [tilespmem:s15+$0xFFFFFEC0];
	v3 =	vmul.f32 v3, v1  }
0xc3: {  	v52 =	vld [tilespmem:s15+$0xFFFFFED0];
	v5 =	vmul.f32 v5, v2  }
0xc4: {  	v14 =	vld [tilespmem:s15+$0xFFFFFEA0];
	v6 =	vmul.f32 v6, v2;
	[tilespmem:s15+$0x1F0] =	vst v3  }
0xc5: {  	v53 =	vld [tilespmem:s15+$0xFFFFFF30];
	v7 =	vmul.f32 v7, v2;
	[tilespmem:s15+$0xFFFFFE10] =	vst v5  }
0xc6: {  	v54 =	vld [tilespmem:s15+$0xFFFFFF40];
	v15 =	vmul.f32 v15, v4;
	[tilespmem:s15+$0xFFFFFE20] =	vst v6  }
0xc7: {  	v55 =	vld [tilespmem:s15+$0xFFFFFF70];
	v16 =	vmul.f32 v16, v4;
	[tilespmem:s15+$0xFFFFFE30] =	vst v7  }
0xc8: {  	v56 =	vld [tilespmem:s15+$0xFFFFFF80];
	v12 =	vmul.f32 v52, v4;
	[tilespmem:s15+$0xFFFFFEB0] =	vst v15  }
0xc9: {  	v57 =	vld [tilespmem:s15+$0xFFFFFFC0];
	v3 =	vmul.f32 v4, v51;
	[tilespmem:s15+$0xFFFFFEC0] =	vst v16  }
0xca: {  	v5 =	vld [tilespmem:s15+$0xFFFFFEE0];
	v6 =	vmul.f32 v8, v2;
	[tilespmem:s15+$0xFFFFFED0] =	vst v12  }
0xcb: {  	v8 =	vld [tilespmem:s15+$0xFFFFFEF0];
	v7 =	vmul.f32 v9, v2;
	[tilespmem:s15+$0xFFFFFE80] =	vst v3  }
0xcc: {  	v9 =	vld [tilespmem:s15+$0xFFFFFF00];
	[tilespmem:s15+$0xFFFFFE40] =	vst v6;
	v6 =	vmul.f32 v10, v2  }
0xcd: {  	v3 =	vld.msk [tilespmem:s16+$0xFFFFFFFE ss:$0x0], $0xffff;
	[tilespmem:s15+$0xFFFFFE50] =	vst v7;
	v7 =	vmul.f32 v11, v2  }
0xce: {  	v10 =	vld [tilespmem:s15+$0xFFFFFF10];
	[tilespmem:s15+$0xFFFFFE60] =	vst v6;
	v6 =	vmul.f32 v13, v4  }
0xcf: {  	v11 =	vld [tilespmem:s15+$0xFFFFFF20];
	[tilespmem:s15+$0xFFFFFE70] =	vst v7;
	v7 =	vmul.f32 v14, v4  }
0xd0: {  	v58 =	vld [tilespmem:s15+$0xFFFFFFD0];
	v5 =	vmul.f32 v5, v4;
	[tilespmem:s15+$0xFFFFFE90] =	vst v6  }
0xd1: {  	v59 =	vld [tilespmem:s15+$0xFFFFFFF0];
	v4 =	vmul.f32 v8, v4;
	[tilespmem:s15+$0xFFFFFEA0] =	vst v7  }
0xd2: {  	v7 =	vld [tilespmem:s15+$0xFFFFFF60];
	v6 =	vmul.f32 v3, v9;
	[tilespmem:s15+$0xFFFFFEE0] =	vst v5  }
0xd3: {  	v9 =	vld [tilespmem:s15+$0xFFFFFF50];
	v5 =	vmul.f32 v10, v3;
	[tilespmem:s15+$0xFFFFFEF0] =	vst v4  }
0xd4: {  	v60 =	vld [tilespmem:s15+$0x40];
	v4 =	vmul.f32 v11, v3;
	[tilespmem:s15+$0xFFFFFF00] =	vst v6  }
0xd5: {  	v14 =	vmul.f32 v54, v3;
	v6 =	vld.msk [tilespmem:s16+$0xFFFFFFFF ss:$0x0], $0xffff;
	[tilespmem:s15+$0xFFFFFF10] =	vst v5  }
0xd6: {  	v8 =	vld [tilespmem:s15+$0xFFFFFF90];
	v5 =	vmul.f32 v53, v3;
	[tilespmem:s15+$0xFFFFFF20] =	vst v4  }
0xd7: {  	v10 =	vld [tilespmem:s15+$0xFFFFFFA0];
	[tilespmem:s15+$0xFFFFFF40] =	vst v14;
	v7 =	vmul.f32 v7, v3  }
0xd8: {  	v61 =	vld.msk [tilespmem:s16+$0x1 ss:$0x0], $0xffff;
	[tilespmem:s15+$0xFFFFFF30] =	vst v5;
	v9 =	vmul.f32 v9, v3  }
0xd9: {  	v11 =	vld [tilespmem:s15+$0xFFFFFFB0];
	v3 =	vmul.f32 v55, v3;
	[tilespmem:s15+$0xFFFFFF60] =	vst v7  }
0xda: {  	v62 =	vld [tilespmem:s15+$0xB0];
	v4 =	vmul.f32 v6, v56;
	[tilespmem:s15+$0xFFFFFF50] =	vst v9  }
0xdb: {  	v5 =	vld [tilespmem:s15+$0xFFFFFFE0];
	v7 =	vmul.f32 v8, v6;
	[tilespmem:s15+$0xFFFFFF70] =	vst v3  }
0xdc: {  	v9 =	vld [tilespmem:s15+$0x0];
	v3 =	vmul.f32 v10, v6;
	[tilespmem:s15+$0xFFFFFF80] =	vst v4  }
0xdd: {  	v13 =	vmul.f32 v58, v6;
	v4 =	vld.msk [tilespmem:s16+$0x0 ss:$0x0], $0xffff;
	[tilespmem:s15+$0xFFFFFF90] =	vst v7  }
0xde: {  	v8 =	vld [tilespmem:s15+$0x10];
	v7 =	vmul.f32 v11, v6;
	[tilespmem:s15+$0xFFFFFFA0] =	vst v3  }
0xdf: {  	v10 =	vld [tilespmem:s15+$0x20];
	v3 =	vmul.f32 v57, v6;
	[tilespmem:s15+$0xFFFFFFD0] =	vst v13  }
0xe0: {  	v11 =	vld [tilespmem:s15+$0x30];
	v5 =	vmul.f32 v5, v6;
	[tilespmem:s15+$0xFFFFFFB0] =	vst v7  }
0xe1: {  	v6 =	vmul.f32 v59, v6;
	[tilespmem:s15+$0xFFFFFFC0] =	vst v3;
	v3 =	vld [tilespmem:s15+$0x60]  }
0xe2: {  	[tilespmem:s15+$0xFFFFFFE0] =	vst v5;
	v7 =	vmul.f32 v4, v9;
	v9 =	vld [tilespmem:s15+$0x50]  }
0xe3: {  	[tilespmem:s15+$0xFFFFFFF0] =	vst v6;
	v5 =	vmul.f32 v8, v4;
	v8 =	vld [tilespmem:s15+$0x80]  }
0xe4: {  	v63 =	vld.msk [tilespmem:s16+$0x2 ss:$0x0], $0xffff;
	v6 =	vmul.f32 v10, v4;
	[tilespmem:s15+$0x0] =	vst v7  }
0xe5: {  	v10 =	vld [tilespmem:s15+$0x90];
	[tilespmem:s15+$0x10] =	vst v5;
	v5 =	vmul.f32 v11, v4  }
0xe6: {  	v7 =	vld [tilespmem:s15+$0x70];
	[tilespmem:s15+$0x20] =	vst v6;
	v6 =	vmul.f32 v60, v4  }
0xe7: {  	v11 =	vld [tilespmem:s15+$0xA0];
	v3 =	vmul.f32 v3, v4;
	[tilespmem:s15+$0x30] =	vst v5  }
0xe8: {  	[tilespmem:s15+$0x40] =	vst v6;
	v5 =	vmul.f32 v9, v4;
	v9 =	vld [tilespmem:s15+$0xC0];
	v6 =	vmul.f32 v61, v8  }
0xe9: {  	[tilespmem:s15+$0x60] =	vst v3;
	v8 =	vld [tilespmem:s15+$0xD0]  }
0xea: {  	v3 =	vmul.f32 v10, v61;
	[tilespmem:s15+$0x80] =	vst v6;
	v6 =	vld [tilespmem:s15+$0xF0]  }
0xeb: {  	[tilespmem:s15+$0x50] =	vst v5;
	v4 =	vmul.f32 v7, v4;
	v7 =	vld [tilespmem:s15+$0x100]  }
0xec: {  	v5 =	vld [tilespmem:s15+$0xE0];
	[tilespmem:s15+$0x90] =	vst v3;
	v3 =	vmul.f32 v62, v61  }
0xed: {  	v10 =	vld [tilespmem:s15+$0x110];
	[tilespmem:s15+$0x70] =	vst v4;
	v4 =	vmul.f32 v11, v61  }
0xee: {  	[tilespmem:s15+$0xB0] =	vst v3;
	v3 =	vmul.f32 v8, v61;
	v8 =	vld [tilespmem:s15+$0x130]  }
0xef: {  	[tilespmem:s15+$0xA0] =	vst v4;
	v4 =	vmul.f32 v9, v61;
	v9 =	vld [tilespmem:s15+$0x120]  }
0xf0: {  	[tilespmem:s15+$0xD0] =	vst v3;
	v3 =	vmul.f32 v63, v7;
	v7 =	vld [tilespmem:s15+$0x150];
	v6 =	vmul.f32 v6, v61  }
0xf1: {  	[tilespmem:s15+$0xC0] =	vst v4;
	v4 =	vmul.f32 v5, v61;
	v5 =	vld [tilespmem:s15+$0x140]  }
0xf2: {  	[tilespmem:s15+$0xF0] =	vst v6;
	v6 =	vld [tilespmem:s15+$0x170]  }
0xf3: {  	v10 =	vmul.f32 v10, v63;
	[tilespmem:s15+$0xE0] =	vst v4;
	v4 =	vld [tilespmem:s15+$0x160]  }
0xf4: {  	[tilespmem:s15+$0x100] =	vst v3;
	v3 =	vmul.f32 v9, v63  }
0xf5: {  	[tilespmem:s15+$0x110] =	vst v10;
	v8 =	vmul.f32 v8, v63;
	v9 =	vld [tilespmem:s15+$0x180]  }
0xf6: {  	v10 =	vld [tilespmem:s15+$0x190];
	[tilespmem:s15+$0x120] =	vst v3;
	v3 =	vmul.f32 v5, v63  }
0xf7: {  	v11 =	vld [tilespmem:s15+$0x1A0];
	[tilespmem:s15+$0x130] =	vst v8;
	v5 =	vmul.f32 v7, v63  }
0xf8: {  	v6 =	vmul.f32 v6, v63;
	[tilespmem:s15+$0x140] =	vst v3;
	v7 =	vmul.f32 v4, v63;
	v4 =	vld [tilespmem:s15+$0x1B0]  }
0xf9: {  	[tilespmem:s15+$0x150] =	vst v5;
	v3 =	vld [tilespmem:s15+$0x1C0]  }
0xfa: {  	v5 =	vld [tilespmem:s15+$0x1D0];
	v9 =	vmul.f32 v1, v9;
	[tilespmem:s15+$0x170] =	vst v6  }
0xfb: {  	v8 =	vmul.f32 v10, v1;
	v6 =	vld [tilespmem:s15+$0x1E0];
	[tilespmem:s15+$0x160] =	vst v7  }
0xfc: {  	s17 =	simm.s32 $0x900C;
	s18 =	simm.s32 $0x5200;
	s16 =	simm.s32 $0x0;
	v7 =	vld [tilespmem:s15+$0xFFFFFE00];
	[tilespmem:s15+$0x180] =	vst v9;
	v9 =	vmul.f32 v11, v1  }
.LBB2_5:
0xfd: {  	v10 =	vld.msk [tilespmem:s17+$0x3 ss:$0x0], $0xffff;
	s16 =	sadd.s32 $0x8, s16;
	[tilespmem:s15+$0x190] =	vst v8;
	v4 =	vmul.f32 v4, v1;
	s18 =	sadd.s32 $0x400, s18  }
0xfe: {  	v8 =	vld [tilespmem:s18+$0x1F0];
	p1 =	slt.u32 s16, $0x78;
	[tilespmem:s15+$0x1A0] =	vst v9;
	v3 =	vmul.f32 v3, v1  }
0xff: {  	v9 =	vld.msk [tilespmem:s17+$0xFFFFFFFC ss:$0x0], $0xffff;
	[tilespmem:s15+$0x1B0] =	vst v4;
	v4 =	vmul.f32 v5, v1  }
0x100: {  	v11 =	vld.msk [tilespmem:s17+$0xFFFFFFFD ss:$0x0], $0xffff;
	[tilespmem:s15+$0x1C0] =	vst v3;
	v3 =	vmul.f32 v6, v1  }
0x101: {  	v12 =	vld.msk [tilespmem:s17+$0xFFFFFFFE ss:$0x0], $0xffff;
	v2 =	vmul.f32 v2, v7;
	[tilespmem:s15+$0x1D0] =	vst v4  }
0x102: {  	v6 =	vld.msk [tilespmem:s17+$0xFFFFFFFF ss:$0x0], $0xffff;
	[tilespmem:s15+$0x1E0] =	vst v3  }
0x103: {  	v1 =	vmov v10;
	v5 =	vld.msk [tilespmem:s17+$0x0 ss:$0x0], $0xffff;
	v7 =	vmul.f32 v8, v10;
	[tilespmem:s15+$0xFFFFFE00] =	vst v2;
	s15 =	smov.u32 s18  }
0x104: {  	v4 =	vld.msk [tilespmem:s17+$0x1 ss:$0x0], $0xffff  }
0x105: {  	v3 =	vld.msk [tilespmem:s17+$0x2 ss:$0x0], $0xffff;
	[tilespmem:s18+$0x1F0] =	vst v7;
	v2 =	vmov v9  }
0x106: {  	v7 =	vld [tilespmem:s18+$0xFFFFFE10]  }
0x107: {  	v8 =	vld [tilespmem:s18+$0xFFFFFE20]  }
0x108: {  	v9 =	vld [tilespmem:s18+$0xFFFFFE30]  }
0x109: {  	v10 =	vld [tilespmem:s18+$0xFFFFFE40]  }
0x10a: {  	v13 =	vld [tilespmem:s18+$0xFFFFFE50]  }
0x10b: {  	v7 =	vmul.f32 v7, v2;
	v14 =	vld [tilespmem:s18+$0xFFFFFE60]  }
0x10c: {  	v8 =	vmul.f32 v8, v2;
	v15 =	vld [tilespmem:s18+$0xFFFFFE70]  }
0x10d: {  	[tilespmem:s18+$0xFFFFFE10] =	vst v7;
	v7 =	vmul.f32 v9, v2;
	v9 =	vld [tilespmem:s18+$0xFFFFFE80]  }
0x10e: {  	[tilespmem:s18+$0xFFFFFE20] =	vst v8;
	v8 =	vmul.f32 v10, v2;
	v10 =	vld [tilespmem:s18+$0xFFFFFE90]  }
0x10f: {  	[tilespmem:s18+$0xFFFFFE30] =	vst v7;
	v7 =	vmul.f32 v13, v2;
	v13 =	vld [tilespmem:s18+$0xFFFFFEA0]  }
0x110: {  	[tilespmem:s18+$0xFFFFFE40] =	vst v8;
	v8 =	vmul.f32 v14, v2;
	v14 =	vld [tilespmem:s18+$0xFFFFFEB0]  }
0x111: {  	[tilespmem:s18+$0xFFFFFE50] =	vst v7;
	v7 =	vmul.f32 v15, v2;
	v15 =	vld [tilespmem:s18+$0xFFFFFEC0]  }
0x112: {  	[tilespmem:s18+$0xFFFFFE60] =	vst v8;
	v8 =	vmul.f32 v11, v9;
	v9 =	vld [tilespmem:s18+$0xFFFFFED0]  }
0x113: {  	[tilespmem:s18+$0xFFFFFE70] =	vst v7;
	v7 =	vmul.f32 v10, v11;
	v10 =	vld [tilespmem:s18+$0xFFFFFEE0]  }
0x114: {  	[tilespmem:s18+$0xFFFFFE80] =	vst v8;
	v8 =	vmul.f32 v13, v11;
	v13 =	vld [tilespmem:s18+$0xFFFFFEF0]  }
0x115: {  	[tilespmem:s18+$0xFFFFFE90] =	vst v7;
	v7 =	vmul.f32 v14, v11;
	v14 =	vld [tilespmem:s18+$0xFFFFFF00]  }
0x116: {  	[tilespmem:s18+$0xFFFFFEA0] =	vst v8;
	v8 =	vmul.f32 v15, v11;
	v15 =	vld [tilespmem:s18+$0xFFFFFF10]  }
0x117: {  	[tilespmem:s18+$0xFFFFFEB0] =	vst v7;
	v7 =	vmul.f32 v9, v11;
	v9 =	vld [tilespmem:s18+$0xFFFFFF20]  }
0x118: {  	[tilespmem:s18+$0xFFFFFEC0] =	vst v8;
	v8 =	vmul.f32 v10, v11;
	v10 =	vld [tilespmem:s18+$0xFFFFFF30]  }
0x119: {  	[tilespmem:s18+$0xFFFFFED0] =	vst v7;
	v7 =	vmul.f32 v13, v11;
	v11 =	vld [tilespmem:s18+$0xFFFFFF40]  }
0x11a: {  	[tilespmem:s18+$0xFFFFFEE0] =	vst v8;
	v8 =	vmul.f32 v12, v14;
	v13 =	vld [tilespmem:s18+$0xFFFFFF50]  }
0x11b: {  	[tilespmem:s18+$0xFFFFFEF0] =	vst v7;
	v7 =	vmul.f32 v15, v12;
	v14 =	vld [tilespmem:s18+$0xFFFFFF60]  }
0x11c: {  	[tilespmem:s18+$0xFFFFFF00] =	vst v8;
	v8 =	vmul.f32 v9, v12;
	v9 =	vld [tilespmem:s18+$0xFFFFFF70]  }
0x11d: {  	[tilespmem:s18+$0xFFFFFF10] =	vst v7;
	v7 =	vmul.f32 v10, v12;
	v10 =	vld [tilespmem:s18+$0xFFFFFF80]  }
0x11e: {  	[tilespmem:s18+$0xFFFFFF20] =	vst v8;
	v8 =	vmul.f32 v11, v12;
	v11 =	vld [tilespmem:s18+$0xFFFFFF90]  }
0x11f: {  	[tilespmem:s18+$0xFFFFFF30] =	vst v7;
	v7 =	vmul.f32 v13, v12;
	v13 =	vld [tilespmem:s18+$0xFFFFFFA0]  }
0x120: {  	[tilespmem:s18+$0xFFFFFF40] =	vst v8;
	v8 =	vmul.f32 v14, v12;
	v14 =	vld [tilespmem:s18+$0xFFFFFFB0]  }
0x121: {  	[tilespmem:s18+$0xFFFFFF50] =	vst v7;
	v7 =	vmul.f32 v9, v12;
	v9 =	vld [tilespmem:s18+$0xFFFFFFC0]  }
0x122: {  	[tilespmem:s18+$0xFFFFFF60] =	vst v8;
	v8 =	vmul.f32 v6, v10;
	v10 =	vld [tilespmem:s18+$0xFFFFFFD0]  }
0x123: {  	[tilespmem:s18+$0xFFFFFF70] =	vst v7;
	v7 =	vmul.f32 v11, v6;
	v11 =	vld [tilespmem:s18+$0xFFFFFFE0]  }
0x124: {  	[tilespmem:s18+$0xFFFFFF80] =	vst v8;
	v8 =	vmul.f32 v13, v6;
	v12 =	vld [tilespmem:s18+$0xFFFFFFF0]  }
0x125: {  	[tilespmem:s18+$0xFFFFFF90] =	vst v7;
	v7 =	vmul.f32 v14, v6;
	v13 =	vld [tilespmem:s18+$0x0]  }
0x126: {  	[tilespmem:s18+$0xFFFFFFA0] =	vst v8;
	v8 =	vmul.f32 v9, v6;
	v9 =	vld [tilespmem:s18+$0x10]  }
0x127: {  	[tilespmem:s18+$0xFFFFFFB0] =	vst v7;
	v7 =	vmul.f32 v10, v6;
	v10 =	vld [tilespmem:s18+$0x20]  }
0x128: {  	[tilespmem:s18+$0xFFFFFFC0] =	vst v8;
	v8 =	vmul.f32 v11, v6;
	v11 =	vld [tilespmem:s18+$0x30]  }
0x129: {  	[tilespmem:s18+$0xFFFFFFD0] =	vst v7;
	v6 =	vmul.f32 v12, v6;
	v7 =	vld [tilespmem:s18+$0x40]  }
0x12a: {  	[tilespmem:s18+$0xFFFFFFE0] =	vst v8;
	v8 =	vmul.f32 v5, v13;
	v12 =	vld [tilespmem:s18+$0x50]  }
0x12b: {  	[tilespmem:s18+$0xFFFFFFF0] =	vst v6;
	v6 =	vmul.f32 v9, v5;
	v9 =	vld [tilespmem:s18+$0x60]  }
0x12c: {  	[tilespmem:s18+$0x0] =	vst v8;
	v8 =	vmul.f32 v10, v5;
	v10 =	vld [tilespmem:s18+$0x70]  }
0x12d: {  	[tilespmem:s18+$0x10] =	vst v6;
	v6 =	vmul.f32 v11, v5;
	v11 =	vld [tilespmem:s18+$0x80]  }
0x12e: {  	[tilespmem:s18+$0x20] =	vst v8;
	v7 =	vmul.f32 v7, v5;
	v8 =	vld [tilespmem:s18+$0x90]  }
0x12f: {  	[tilespmem:s18+$0x30] =	vst v6;
	v6 =	vmul.f32 v12, v5;
	v12 =	vld [tilespmem:s18+$0xA0]  }
0x130: {  	[tilespmem:s18+$0x40] =	vst v7;
	v7 =	vmul.f32 v9, v5;
	v9 =	vld [tilespmem:s18+$0xB0]  }
0x131: {  	[tilespmem:s18+$0x50] =	vst v6;
	v5 =	vmul.f32 v10, v5;
	v6 =	vld [tilespmem:s18+$0xC0]  }
0x132: {  	[tilespmem:s18+$0x60] =	vst v7;
	v7 =	vmul.f32 v4, v11;
	v10 =	vld [tilespmem:s18+$0xD0]  }
0x133: {  	[tilespmem:s18+$0x70] =	vst v5;
	v5 =	vmul.f32 v8, v4;
	v8 =	vld [tilespmem:s18+$0xE0]  }
0x134: {  	[tilespmem:s18+$0x80] =	vst v7;
	v7 =	vmul.f32 v12, v4;
	v11 =	vld [tilespmem:s18+$0xF0]  }
0x135: {  	[tilespmem:s18+$0x90] =	vst v5;
	v5 =	vmul.f32 v9, v4;
	v9 =	vld [tilespmem:s18+$0x100]  }
0x136: {  	[tilespmem:s18+$0xA0] =	vst v7;
	v6 =	vmul.f32 v6, v4;
	v7 =	vld [tilespmem:s18+$0x110]  }
0x137: {  	[tilespmem:s18+$0xB0] =	vst v5;
	v5 =	vmul.f32 v10, v4;
	v10 =	vld [tilespmem:s18+$0x120]  }
0x138: {  	[tilespmem:s18+$0xC0] =	vst v6;
	v6 =	vmul.f32 v8, v4;
	v8 =	vld [tilespmem:s18+$0x130]  }
0x139: {  	[tilespmem:s18+$0xD0] =	vst v5;
	v4 =	vmul.f32 v11, v4;
	v5 =	vld [tilespmem:s18+$0x140]  }
0x13a: {  	[tilespmem:s18+$0xE0] =	vst v6;
	v6 =	vmul.f32 v3, v9;
	v9 =	vld [tilespmem:s18+$0x150]  }
0x13b: {  	[tilespmem:s18+$0xF0] =	vst v4;
	v4 =	vmul.f32 v7, v3;
	v7 =	vld [tilespmem:s18+$0x160]  }
0x13c: {  	[tilespmem:s18+$0x100] =	vst v6;
	v6 =	vmul.f32 v10, v3;
	v10 =	vld [tilespmem:s18+$0x170]  }
0x13d: {  	[tilespmem:s18+$0x110] =	vst v4;
	v4 =	vmul.f32 v8, v3;
	v8 =	vld [tilespmem:s18+$0x180]  }
0x13e: {  	[tilespmem:s18+$0x120] =	vst v6;
	v5 =	vmul.f32 v5, v3;
	v6 =	vld [tilespmem:s18+$0x190]  }
0x13f: {  	[tilespmem:s18+$0x130] =	vst v4;
	v9 =	vmul.f32 v9, v3;
	v11 =	vld [tilespmem:s18+$0x1A0]  }
.Ltmp1:
0x140: {  	[tilespmem:s18+$0x140] =	vst v5;
	v5 =	vmul.f32 v7, v3;
	v4 =	vld [tilespmem:s18+$0x1B0];
	(pc) =	sbr.rel @p1 .LBB2_5-.Ltmp1, $4  }
0x141: {  	[tilespmem:s18+$0x150] =	vst v9;
	v7 =	vmul.f32 v10, v3;
	v3 =	vld [tilespmem:s18+$0x1C0]  }
0x142: {  	[tilespmem:s18+$0x160] =	vst v5;
	v9 =	vmul.f32 v1, v8;
	v5 =	vld [tilespmem:s18+$0x1D0]  }
0x143: {  	[tilespmem:s18+$0x170] =	vst v7;
	v8 =	vmul.f32 v6, v1;
	v6 =	vld [tilespmem:s18+$0x1E0]  }
0x144: {  	s17 =	sadd.s32 $0x8, s17;
	v7 =	vld [tilespmem:s18+$0xFFFFFE00];
	[tilespmem:s18+$0x180] =	vst v9;
	v9 =	vmul.f32 v11, v1  }
0x145: {  	[tilespmem:s15+$0x190] =	vst v8;
	v4 =	vmul.f32 v4, v1  }
0x146: {  	[tilespmem:s15+$0x1A0] =	vst v9;
	v3 =	vmul.f32 v3, v1  }
0x147: {  	[tilespmem:s15+$0x1B0] =	vst v4;
	v4 =	vmul.f32 v5, v1  }
0x148: {  	[tilespmem:s15+$0x1C0] =	vst v3;
	v1 =	vmul.f32 v6, v1  }
0x149: {  	v2 =	vmul.f32 v2, v7;
	[tilespmem:s15+$0x1D0] =	vst v4  }
0x14a: {  	[tilespmem:s15+$0x1E0] =	vst v1  }
0x14b: {  	[tilespmem:s15+$0xFFFFFE00] =	vst v2  }
0x14c: {  	[spmem:s2] =	stream.indirect.scatter.add.f32 [tilespmem:s25], [sflag:$0x1], $0x80, s13, s29, $0xb8;
	[tilespmem:$0x1DA70] =	vst v63  }
0x14d: {  	_ = 	snop  }
0x14e: {  	[spmem:s3] =	stream.indirect.scatter.add.f32 [tilespmem:s8], [sflag:$0x1], $0x1, s13, s29, $0xb8;
	[tilespmem:$0x1DA70] =	vst v63  }
0x14f: {  	s17 =	sor.u32 $0x80, s12  }
0x150: {  	[tilespmem:s31], [sflag:$0x3] =	stream.indirect.gather [spmem:s5], $0x1, s17, s29, $0xb8;
	[tilespmem:$0x1DA70] =	vst v63  }
0x151: {  	_ =	swait.ge [sflag:s26], $0x80  }
0x152: {  	[sflag:s26] =	ssyncset.done $0x0  }
0x153: {  	s12 =	sadd.s32 $0x2880, s12;
	[sflag:s26] =	ssyncadd.s32 $0xFFFFFF80  }
0x154: {  	[tilespmem:s4], [sflag:$0x3] =	stream.indirect.gather [spmem:s6], $0x1, s12, s29, $0xb8;
	[tilespmem:$0x1DA70] =	vst v63  }
0x155: {  	_ =	swait.ge [sflag:s26], $0x80  }
0x156: {  	[sflag:s26] =	ssyncset.done $0x0  }
0x157: {  	[sflag:s26] =	ssyncadd.s32 $0xFFFFFF80  }
0x158: {  	v1 =	vld [tilespmem:$0x9200]  }
0x159: {  	v2 =	vld [tilespmem:$0x9280]  }
0x15a: {  	v3 =	vld [tilespmem:$0x9210]  }
0x15b: {  	v4 =	vld [tilespmem:$0x9290]  }
0x15c: {  	v5 =	vld [tilespmem:$0x9220]  }
0x15d: {  	v6 =	vld [tilespmem:$0x92A0]  }
0x15e: {  	v7 =	vld [tilespmem:$0x92B0];
	v1 =	vadd.f32 v2, v1  }
0x15f: {  	v2 =	vld [tilespmem:$0x9230]  }
0x160: {  	v8 =	vmul.f32 $9.999999770e-03, v1  }
0x161: {  	v9 =	vld [tilespmem:$0x9240];
	vm0 =	vge.f32 v1, $0.0e+00  }
0x162: {  	v10 =	vld [tilespmem:$0x92C0];
	v3 =	vadd.f32 v4, v3;
	v1 =	vsel vm0, v1, v8  }
0x163: {  	v4 =	vld [tilespmem:$0x9250];
	v1 =	vmul.f32 $1.442695020e+00, v1  }
0x164: {  	v5 =	vadd.f32 v6, v5;
	v6 =	vld [tilespmem:$0x92D0];
	v8 =	vmul.f32 $9.999999770e-03, v3;
	v2 =	vadd.f32 v7, v2  }
0x165: {  	v11 =	vld [tilespmem:$0x92E0];
	vm9 =	vge.f32 v3, $0.0e+00;
	(erf) = vpow2.f32 v1  }
0x166: {  	v12 =	vld [tilespmem:$0x9270];
	v3 =	vsel vm9, v3, v8;
	v1 =	vmul.f32 $9.999999770e-03, v5;
	v8 =	vmul.f32 $9.999999770e-03, v2  }
0x167: {  	vm10 =	vge.f32 v5, $0.0e+00;
	v7 =	vld [tilespmem:$0x9260];
	v3 =	vmul.f32 $1.442695020e+00, v3;
	vm11 =	vge.f32 v2, $0.0e+00  }
0x168: {  	v1 =	vsel vm10, v5, v1;
	v5 =	vld [tilespmem:$0x92F0];
	v2 =	vsel vm11, v2, v8  }
0x169: {  	(erf) = vpow2.f32 v3;
	v3 =	vadd.f32 v6, v4;
	v1 =	vmul.f32 $1.442695020e+00, v1  }
0x16a: {  	v8 =	vadd.f32 v10, v9;
	v2 =	vmul.f32 $1.442695020e+00, v2  }
0x16b: {  	v4 =	vmul.f32 $9.999999770e-03, v3;
	(erf) = vpow2.f32 v1  }
0x16c: {  	v1 =	vmul.f32 $9.999999770e-03, v8;
	(erf) = vpow2.f32 v2;
	v2 =	vadd.f32 v11, v7  }
0x16d: {  	vm12 =	vge.f32 v8, $0.0e+00;
	vm13 =	vge.f32 v3, $0.0e+00;
	v5 =	vadd.f32 v5, v12  }
0x16e: {  	v3 =	vsel vm13, v3, v4;
	v1 =	vsel vm12, v8, v1;
	v6 =	vmul.f32 $9.999999770e-03, v2  }
0x16f: {  	v1 =	vmul.f32 $1.442695020e+00, v1;
	vm14 =	vge.f32 v2, $0.0e+00;
	v4 =	vmul.f32 $9.999999770e-03, v5  }
0x170: {  	v3 =	vmul.f32 $1.442695020e+00, v3;
	vm15 =	vge.f32 v5, $0.0e+00;
	v2 =	vsel vm14, v2, v6  }
0x171: {  	(erf) = vpow2.f32 v1;
	v1 =	vmul.f32 $1.442695020e+00, v2;
	v2 =	vsel vm15, v5, v4  }
0x172: {  	(erf) = vpow2.f32 v3;
	v2 =	vmul.f32 $1.442695020e+00, v2  }
0x173: {  	(erf) = vpow2.f32 v1  }
0x174: {  	(erf) = vpow2.f32 v2;
	_ =	sdelay $0x1  }
0x175: {  	v1 =	vpop (erf)  }
0x176: {  	v2 =	vpop (erf);
	[tilespmem:$0x9100] =	vst v1  }
0x177: {  	v1 =	vpop (erf);
	[tilespmem:$0x9110] =	vst v2  }
0x178: {  	v2 =	vpop (erf);
	[tilespmem:$0x9120] =	vst v1  }
0x179: {  	v1 =	vpop (erf);
	[tilespmem:$0x9130] =	vst v2  }
0x17a: {  	v2 =	vpop (erf);
	[tilespmem:$0x9140] =	vst v1  }
0x17b: {  	[tilespmem:$0x9150] =	vst v2;
	v1 =	vpop (erf)  }
0x17c: {  	[tilespmem:$0x9160] =	vst v1;
	v1 =	vpop (erf)  }
0x17d: {  	[tilespmem:$0x9170] =	vst v1  }
0x17e: {  	_ =	swait.ge [sflag:s10], $0x4000  }
0x17f: {  	[sflag:s10] =	ssyncset.done $0x0  }
0x180: {  	[sflag:s10] =	ssyncadd.s32 $0xFFFFC000  }
0x181: {  	_ =	swait.ge [sflag:s10], $0x80  }
0x182: {  	[sflag:s10] =	ssyncset.done $0x0  }
0x183: {  	[sflag:s10] =	ssyncadd.s32 $0xFFFFFF80  }
0x184: {  	[tilespmem:s25], [sflag:$0x3] =	stream.indirect.gather [hbm4b:s0+s29], $0x80, s17, s29, $0xb8;
	[tilespmem:$0x1DA70] =	vst v63  }
0x185: {  	_ =	swait.ge [sflag:s26], $0x4000  }
0x186: {  	[sflag:s26] =	ssyncset.done $0x0  }
0x187: {  	s18 =	simm.s32 $0x9104;
	[sflag:s26] =	ssyncadd.s32 $0xFFFFC000  }
0x188: {  	s13 =	simm.s32 $0x5200;
	v1 =	vld.msk [tilespmem:s18+$0x3 ss:$0x0], $0xffff  }
0x189: {  	v3 =	vld [tilespmem:s13+$0x1F0]  }
0x18a: {  	v2 =	vld.msk [tilespmem:s18+$0xFFFFFFFC ss:$0x0], $0xffff  }
0x18b: {  	v4 =	vld.msk [tilespmem:s18+$0xFFFFFFFD ss:$0x0], $0xffff  }
0x18c: {  	v5 =	vld [tilespmem:s13+$0xFFFFFE10]  }
0x18d: {  	v6 =	vld [tilespmem:s13+$0xFFFFFE20]  }
0x18e: {  	v7 =	vld [tilespmem:s13+$0xFFFFFE30]  }
0x18f: {  	v8 =	vld [tilespmem:s13+$0xFFFFFE40]  }
0x190: {  	v9 =	vld [tilespmem:s13+$0xFFFFFE50]  }
0x191: {  	v10 =	vld [tilespmem:s13+$0xFFFFFE60]  }
0x192: {  	v11 =	vld [tilespmem:s13+$0xFFFFFE70]  }
0x193: {  	v51 =	vld [tilespmem:s13+$0xFFFFFE80]  }
0x194: {  	v13 =	vld [tilespmem:s13+$0xFFFFFE90]  }
0x195: {  	v15 =	vld [tilespmem:s13+$0xFFFFFEB0]  }
0x196: {  	v16 =	vld [tilespmem:s13+$0xFFFFFEC0];
	v3 =	vmul.f32 v3, v1  }
0x197: {  	v52 =	vld [tilespmem:s13+$0xFFFFFED0];
	v5 =	vmul.f32 v5, v2  }
0x198: {  	v14 =	vld [tilespmem:s13+$0xFFFFFEA0];
	v6 =	vmul.f32 v6, v2;
	[tilespmem:s13+$0x1F0] =	vst v3  }
0x199: {  	v53 =	vld [tilespmem:s13+$0xFFFFFF30];
	v7 =	vmul.f32 v7, v2;
	[tilespmem:s13+$0xFFFFFE10] =	vst v5  }
0x19a: {  	v54 =	vld [tilespmem:s13+$0xFFFFFF40];
	v15 =	vmul.f32 v15, v4;
	[tilespmem:s13+$0xFFFFFE20] =	vst v6  }
0x19b: {  	v55 =	vld [tilespmem:s13+$0xFFFFFF70];
	v16 =	vmul.f32 v16, v4;
	[tilespmem:s13+$0xFFFFFE30] =	vst v7  }
0x19c: {  	v56 =	vld [tilespmem:s13+$0xFFFFFF80];
	v12 =	vmul.f32 v52, v4;
	[tilespmem:s13+$0xFFFFFEB0] =	vst v15  }
0x19d: {  	v57 =	vld [tilespmem:s13+$0xFFFFFFC0];
	v3 =	vmul.f32 v4, v51;
	[tilespmem:s13+$0xFFFFFEC0] =	vst v16  }
0x19e: {  	v5 =	vld [tilespmem:s13+$0xFFFFFEE0];
	v6 =	vmul.f32 v8, v2;
	[tilespmem:s13+$0xFFFFFED0] =	vst v12  }
0x19f: {  	v8 =	vld [tilespmem:s13+$0xFFFFFEF0];
	v7 =	vmul.f32 v9, v2;
	[tilespmem:s13+$0xFFFFFE80] =	vst v3  }
0x1a0: {  	v9 =	vld [tilespmem:s13+$0xFFFFFF00];
	[tilespmem:s13+$0xFFFFFE40] =	vst v6;
	v6 =	vmul.f32 v10, v2  }
0x1a1: {  	v3 =	vld.msk [tilespmem:s18+$0xFFFFFFFE ss:$0x0], $0xffff;
	[tilespmem:s13+$0xFFFFFE50] =	vst v7;
	v7 =	vmul.f32 v11, v2  }
0x1a2: {  	v10 =	vld [tilespmem:s13+$0xFFFFFF10];
	[tilespmem:s13+$0xFFFFFE60] =	vst v6;
	v6 =	vmul.f32 v13, v4  }
0x1a3: {  	v11 =	vld [tilespmem:s13+$0xFFFFFF20];
	[tilespmem:s13+$0xFFFFFE70] =	vst v7;
	v7 =	vmul.f32 v14, v4  }
0x1a4: {  	v58 =	vld [tilespmem:s13+$0xFFFFFFD0];
	v5 =	vmul.f32 v5, v4;
	[tilespmem:s13+$0xFFFFFE90] =	vst v6  }
0x1a5: {  	v59 =	vld [tilespmem:s13+$0xFFFFFFF0];
	v4 =	vmul.f32 v8, v4;
	[tilespmem:s13+$0xFFFFFEA0] =	vst v7  }
0x1a6: {  	v7 =	vld [tilespmem:s13+$0xFFFFFF60];
	v6 =	vmul.f32 v3, v9;
	[tilespmem:s13+$0xFFFFFEE0] =	vst v5  }
0x1a7: {  	v9 =	vld [tilespmem:s13+$0xFFFFFF50];
	v5 =	vmul.f32 v10, v3;
	[tilespmem:s13+$0xFFFFFEF0] =	vst v4  }
0x1a8: {  	v60 =	vld [tilespmem:s13+$0x40];
	v4 =	vmul.f32 v11, v3;
	[tilespmem:s13+$0xFFFFFF00] =	vst v6  }
0x1a9: {  	v14 =	vmul.f32 v54, v3;
	v6 =	vld.msk [tilespmem:s18+$0xFFFFFFFF ss:$0x0], $0xffff;
	[tilespmem:s13+$0xFFFFFF10] =	vst v5  }
0x1aa: {  	v8 =	vld [tilespmem:s13+$0xFFFFFF90];
	v5 =	vmul.f32 v53, v3;
	[tilespmem:s13+$0xFFFFFF20] =	vst v4  }
0x1ab: {  	v10 =	vld [tilespmem:s13+$0xFFFFFFA0];
	[tilespmem:s13+$0xFFFFFF40] =	vst v14;
	v7 =	vmul.f32 v7, v3  }
0x1ac: {  	v61 =	vld.msk [tilespmem:s18+$0x1 ss:$0x0], $0xffff;
	[tilespmem:s13+$0xFFFFFF30] =	vst v5;
	v9 =	vmul.f32 v9, v3  }
0x1ad: {  	v11 =	vld [tilespmem:s13+$0xFFFFFFB0];
	v3 =	vmul.f32 v55, v3;
	[tilespmem:s13+$0xFFFFFF60] =	vst v7  }
0x1ae: {  	v62 =	vld [tilespmem:s13+$0xB0];
	v4 =	vmul.f32 v6, v56;
	[tilespmem:s13+$0xFFFFFF50] =	vst v9  }
0x1af: {  	v5 =	vld [tilespmem:s13+$0xFFFFFFE0];
	v7 =	vmul.f32 v8, v6;
	[tilespmem:s13+$0xFFFFFF70] =	vst v3  }
0x1b0: {  	v9 =	vld [tilespmem:s13+$0x0];
	v3 =	vmul.f32 v10, v6;
	[tilespmem:s13+$0xFFFFFF80] =	vst v4  }
0x1b1: {  	v13 =	vmul.f32 v58, v6;
	v4 =	vld.msk [tilespmem:s18+$0x0 ss:$0x0], $0xffff;
	[tilespmem:s13+$0xFFFFFF90] =	vst v7  }
0x1b2: {  	v8 =	vld [tilespmem:s13+$0x10];
	v7 =	vmul.f32 v11, v6;
	[tilespmem:s13+$0xFFFFFFA0] =	vst v3  }
0x1b3: {  	v10 =	vld [tilespmem:s13+$0x20];
	v3 =	vmul.f32 v57, v6;
	[tilespmem:s13+$0xFFFFFFD0] =	vst v13  }
0x1b4: {  	v11 =	vld [tilespmem:s13+$0x30];
	v5 =	vmul.f32 v5, v6;
	[tilespmem:s13+$0xFFFFFFB0] =	vst v7  }
0x1b5: {  	v6 =	vmul.f32 v59, v6;
	[tilespmem:s13+$0xFFFFFFC0] =	vst v3;
	v3 =	vld [tilespmem:s13+$0x60]  }
0x1b6: {  	[tilespmem:s13+$0xFFFFFFE0] =	vst v5;
	v7 =	vmul.f32 v4, v9;
	v9 =	vld [tilespmem:s13+$0x50]  }
0x1b7: {  	[tilespmem:s13+$0xFFFFFFF0] =	vst v6;
	v5 =	vmul.f32 v8, v4;
	v8 =	vld [tilespmem:s13+$0x80]  }
0x1b8: {  	v63 =	vld.msk [tilespmem:s18+$0x2 ss:$0x0], $0xffff;
	v6 =	vmul.f32 v10, v4;
	[tilespmem:s13+$0x0] =	vst v7  }
0x1b9: {  	v10 =	vld [tilespmem:s13+$0x90];
	[tilespmem:s13+$0x10] =	vst v5;
	v5 =	vmul.f32 v11, v4  }
0x1ba: {  	v7 =	vld [tilespmem:s13+$0x70];
	[tilespmem:s13+$0x20] =	vst v6;
	v6 =	vmul.f32 v60, v4  }
0x1bb: {  	v11 =	vld [tilespmem:s13+$0xA0];
	v3 =	vmul.f32 v3, v4;
	[tilespmem:s13+$0x30] =	vst v5  }
0x1bc: {  	[tilespmem:s13+$0x40] =	vst v6;
	v5 =	vmul.f32 v9, v4;
	v9 =	vld [tilespmem:s13+$0xC0];
	v6 =	vmul.f32 v61, v8  }
0x1bd: {  	[tilespmem:s13+$0x60] =	vst v3;
	v8 =	vld [tilespmem:s13+$0xD0]  }
0x1be: {  	v3 =	vmul.f32 v10, v61;
	[tilespmem:s13+$0x80] =	vst v6;
	v6 =	vld [tilespmem:s13+$0xF0]  }
0x1bf: {  	[tilespmem:s13+$0x50] =	vst v5;
	v4 =	vmul.f32 v7, v4;
	v7 =	vld [tilespmem:s13+$0x100]  }
0x1c0: {  	v5 =	vld [tilespmem:s13+$0xE0];
	[tilespmem:s13+$0x90] =	vst v3;
	v3 =	vmul.f32 v62, v61  }
0x1c1: {  	v10 =	vld [tilespmem:s13+$0x110];
	[tilespmem:s13+$0x70] =	vst v4;
	v4 =	vmul.f32 v11, v61  }
0x1c2: {  	[tilespmem:s13+$0xB0] =	vst v3;
	v3 =	vmul.f32 v8, v61;
	v8 =	vld [tilespmem:s13+$0x130]  }
0x1c3: {  	[tilespmem:s13+$0xA0] =	vst v4;
	v4 =	vmul.f32 v9, v61;
	v9 =	vld [tilespmem:s13+$0x120]  }
0x1c4: {  	[tilespmem:s13+$0xD0] =	vst v3;
	v3 =	vmul.f32 v63, v7;
	v7 =	vld [tilespmem:s13+$0x150];
	v6 =	vmul.f32 v6, v61  }
0x1c5: {  	[tilespmem:s13+$0xC0] =	vst v4;
	v4 =	vmul.f32 v5, v61;
	v5 =	vld [tilespmem:s13+$0x140]  }
0x1c6: {  	[tilespmem:s13+$0xF0] =	vst v6;
	v6 =	vld [tilespmem:s13+$0x170]  }
0x1c7: {  	v10 =	vmul.f32 v10, v63;
	[tilespmem:s13+$0xE0] =	vst v4;
	v4 =	vld [tilespmem:s13+$0x160]  }
0x1c8: {  	[tilespmem:s13+$0x100] =	vst v3;
	v3 =	vmul.f32 v9, v63  }
0x1c9: {  	[tilespmem:s13+$0x110] =	vst v10;
	v8 =	vmul.f32 v8, v63;
	v9 =	vld [tilespmem:s13+$0x180]  }
0x1ca: {  	v10 =	vld [tilespmem:s13+$0x190];
	[tilespmem:s13+$0x120] =	vst v3;
	v3 =	vmul.f32 v5, v63  }
0x1cb: {  	v11 =	vld [tilespmem:s13+$0x1A0];
	[tilespmem:s13+$0x130] =	vst v8;
	v5 =	vmul.f32 v7, v63  }
0x1cc: {  	v6 =	vmul.f32 v6, v63;
	[tilespmem:s13+$0x140] =	vst v3;
	v7 =	vmul.f32 v4, v63;
	v4 =	vld [tilespmem:s13+$0x1B0]  }
0x1cd: {  	[tilespmem:s13+$0x150] =	vst v5;
	v3 =	vld [tilespmem:s13+$0x1C0]  }
0x1ce: {  	v5 =	vld [tilespmem:s13+$0x1D0];
	v9 =	vmul.f32 v1, v9;
	[tilespmem:s13+$0x170] =	vst v6  }
0x1cf: {  	v8 =	vmul.f32 v10, v1;
	v6 =	vld [tilespmem:s13+$0x1E0];
	[tilespmem:s13+$0x160] =	vst v7  }
0x1d0: {  	s16 =	simm.s32 $0x910C;
	s15 =	simm.s32 $0x0;
	s17 =	simm.s32 $0x5200;
	v7 =	vld [tilespmem:s13+$0xFFFFFE00];
	[tilespmem:s13+$0x180] =	vst v9;
	v9 =	vmul.f32 v11, v1  }
.LBB2_7:
0x1d1: {  	v10 =	vld.msk [tilespmem:s16+$0x3 ss:$0x0], $0xffff;
	s15 =	sadd.s32 $0x8, s15;
	[tilespmem:s13+$0x190] =	vst v8;
	v4 =	vmul.f32 v4, v1;
	s17 =	sadd.s32 $0x400, s17  }
0x1d2: {  	v8 =	vld [tilespmem:s17+$0x1F0];
	p1 =	slt.u32 s15, $0x78;
	[tilespmem:s13+$0x1A0] =	vst v9;
	v3 =	vmul.f32 v3, v1  }
0x1d3: {  	v9 =	vld.msk [tilespmem:s16+$0xFFFFFFFC ss:$0x0], $0xffff;
	[tilespmem:s13+$0x1B0] =	vst v4;
	v4 =	vmul.f32 v5, v1  }
0x1d4: {  	v11 =	vld.msk [tilespmem:s16+$0xFFFFFFFD ss:$0x0], $0xffff;
	[tilespmem:s13+$0x1C0] =	vst v3;
	v3 =	vmul.f32 v6, v1  }
0x1d5: {  	v12 =	vld.msk [tilespmem:s16+$0xFFFFFFFE ss:$0x0], $0xffff;
	v2 =	vmul.f32 v2, v7;
	[tilespmem:s13+$0x1D0] =	vst v4  }
0x1d6: {  	v6 =	vld.msk [tilespmem:s16+$0xFFFFFFFF ss:$0x0], $0xffff;
	[tilespmem:s13+$0x1E0] =	vst v3  }
0x1d7: {  	v1 =	vmov v10;
	v5 =	vld.msk [tilespmem:s16+$0x0 ss:$0x0], $0xffff;
	v7 =	vmul.f32 v8, v10;
	[tilespmem:s13+$0xFFFFFE00] =	vst v2;
	s13 =	smov.u32 s17  }
0x1d8: {  	v4 =	vld.msk [tilespmem:s16+$0x1 ss:$0x0], $0xffff  }
0x1d9: {  	v3 =	vld.msk [tilespmem:s16+$0x2 ss:$0x0], $0xffff;
	[tilespmem:s17+$0x1F0] =	vst v7;
	v2 =	vmov v9  }
0x1da: {  	v7 =	vld [tilespmem:s17+$0xFFFFFE10]  }
0x1db: {  	v8 =	vld [tilespmem:s17+$0xFFFFFE20]  }
0x1dc: {  	v9 =	vld [tilespmem:s17+$0xFFFFFE30]  }
0x1dd: {  	v10 =	vld [tilespmem:s17+$0xFFFFFE40]  }
0x1de: {  	v13 =	vld [tilespmem:s17+$0xFFFFFE50]  }
0x1df: {  	v7 =	vmul.f32 v7, v2;
	v14 =	vld [tilespmem:s17+$0xFFFFFE60]  }
0x1e0: {  	v8 =	vmul.f32 v8, v2;
	v15 =	vld [tilespmem:s17+$0xFFFFFE70]  }
0x1e1: {  	[tilespmem:s17+$0xFFFFFE10] =	vst v7;
	v7 =	vmul.f32 v9, v2;
	v9 =	vld [tilespmem:s17+$0xFFFFFE80]  }
0x1e2: {  	[tilespmem:s17+$0xFFFFFE20] =	vst v8;
	v8 =	vmul.f32 v10, v2;
	v10 =	vld [tilespmem:s17+$0xFFFFFE90]  }
0x1e3: {  	[tilespmem:s17+$0xFFFFFE30] =	vst v7;
	v7 =	vmul.f32 v13, v2;
	v13 =	vld [tilespmem:s17+$0xFFFFFEA0]  }
0x1e4: {  	[tilespmem:s17+$0xFFFFFE40] =	vst v8;
	v8 =	vmul.f32 v14, v2;
	v14 =	vld [tilespmem:s17+$0xFFFFFEB0]  }
0x1e5: {  	[tilespmem:s17+$0xFFFFFE50] =	vst v7;
	v7 =	vmul.f32 v15, v2;
	v15 =	vld [tilespmem:s17+$0xFFFFFEC0]  }
0x1e6: {  	[tilespmem:s17+$0xFFFFFE60] =	vst v8;
	v8 =	vmul.f32 v11, v9;
	v9 =	vld [tilespmem:s17+$0xFFFFFED0]  }
0x1e7: {  	[tilespmem:s17+$0xFFFFFE70] =	vst v7;
	v7 =	vmul.f32 v10, v11;
	v10 =	vld [tilespmem:s17+$0xFFFFFEE0]  }
0x1e8: {  	[tilespmem:s17+$0xFFFFFE80] =	vst v8;
	v8 =	vmul.f32 v13, v11;
	v13 =	vld [tilespmem:s17+$0xFFFFFEF0]  }
0x1e9: {  	[tilespmem:s17+$0xFFFFFE90] =	vst v7;
	v7 =	vmul.f32 v14, v11;
	v14 =	vld [tilespmem:s17+$0xFFFFFF00]  }
0x1ea: {  	[tilespmem:s17+$0xFFFFFEA0] =	vst v8;
	v8 =	vmul.f32 v15, v11;
	v15 =	vld [tilespmem:s17+$0xFFFFFF10]  }
0x1eb: {  	[tilespmem:s17+$0xFFFFFEB0] =	vst v7;
	v7 =	vmul.f32 v9, v11;
	v9 =	vld [tilespmem:s17+$0xFFFFFF20]  }
0x1ec: {  	[tilespmem:s17+$0xFFFFFEC0] =	vst v8;
	v8 =	vmul.f32 v10, v11;
	v10 =	vld [tilespmem:s17+$0xFFFFFF30]  }
0x1ed: {  	[tilespmem:s17+$0xFFFFFED0] =	vst v7;
	v7 =	vmul.f32 v13, v11;
	v11 =	vld [tilespmem:s17+$0xFFFFFF40]  }
0x1ee: {  	[tilespmem:s17+$0xFFFFFEE0] =	vst v8;
	v8 =	vmul.f32 v12, v14;
	v13 =	vld [tilespmem:s17+$0xFFFFFF50]  }
0x1ef: {  	[tilespmem:s17+$0xFFFFFEF0] =	vst v7;
	v7 =	vmul.f32 v15, v12;
	v14 =	vld [tilespmem:s17+$0xFFFFFF60]  }
0x1f0: {  	[tilespmem:s17+$0xFFFFFF00] =	vst v8;
	v8 =	vmul.f32 v9, v12;
	v9 =	vld [tilespmem:s17+$0xFFFFFF70]  }
0x1f1: {  	[tilespmem:s17+$0xFFFFFF10] =	vst v7;
	v7 =	vmul.f32 v10, v12;
	v10 =	vld [tilespmem:s17+$0xFFFFFF80]  }
0x1f2: {  	[tilespmem:s17+$0xFFFFFF20] =	vst v8;
	v8 =	vmul.f32 v11, v12;
	v11 =	vld [tilespmem:s17+$0xFFFFFF90]  }
0x1f3: {  	[tilespmem:s17+$0xFFFFFF30] =	vst v7;
	v7 =	vmul.f32 v13, v12;
	v13 =	vld [tilespmem:s17+$0xFFFFFFA0]  }
0x1f4: {  	[tilespmem:s17+$0xFFFFFF40] =	vst v8;
	v8 =	vmul.f32 v14, v12;
	v14 =	vld [tilespmem:s17+$0xFFFFFFB0]  }
0x1f5: {  	[tilespmem:s17+$0xFFFFFF50] =	vst v7;
	v7 =	vmul.f32 v9, v12;
	v9 =	vld [tilespmem:s17+$0xFFFFFFC0]  }
0x1f6: {  	[tilespmem:s17+$0xFFFFFF60] =	vst v8;
	v8 =	vmul.f32 v6, v10;
	v10 =	vld [tilespmem:s17+$0xFFFFFFD0]  }
0x1f7: {  	[tilespmem:s17+$0xFFFFFF70] =	vst v7;
	v7 =	vmul.f32 v11, v6;
	v11 =	vld [tilespmem:s17+$0xFFFFFFE0]  }
0x1f8: {  	[tilespmem:s17+$0xFFFFFF80] =	vst v8;
	v8 =	vmul.f32 v13, v6;
	v12 =	vld [tilespmem:s17+$0xFFFFFFF0]  }
0x1f9: {  	[tilespmem:s17+$0xFFFFFF90] =	vst v7;
	v7 =	vmul.f32 v14, v6;
	v13 =	vld [tilespmem:s17+$0x0]  }
0x1fa: {  	[tilespmem:s17+$0xFFFFFFA0] =	vst v8;
	v8 =	vmul.f32 v9, v6;
	v9 =	vld [tilespmem:s17+$0x10]  }
0x1fb: {  	[tilespmem:s17+$0xFFFFFFB0] =	vst v7;
	v7 =	vmul.f32 v10, v6;
	v10 =	vld [tilespmem:s17+$0x20]  }
0x1fc: {  	[tilespmem:s17+$0xFFFFFFC0] =	vst v8;
	v8 =	vmul.f32 v11, v6;
	v11 =	vld [tilespmem:s17+$0x30]  }
0x1fd: {  	[tilespmem:s17+$0xFFFFFFD0] =	vst v7;
	v6 =	vmul.f32 v12, v6;
	v7 =	vld [tilespmem:s17+$0x40]  }
0x1fe: {  	[tilespmem:s17+$0xFFFFFFE0] =	vst v8;
	v8 =	vmul.f32 v5, v13;
	v12 =	vld [tilespmem:s17+$0x50]  }
0x1ff: {  	[tilespmem:s17+$0xFFFFFFF0] =	vst v6;
	v6 =	vmul.f32 v9, v5;
	v9 =	vld [tilespmem:s17+$0x60]  }
0x200: {  	[tilespmem:s17+$0x0] =	vst v8;
	v8 =	vmul.f32 v10, v5;
	v10 =	vld [tilespmem:s17+$0x70]  }
0x201: {  	[tilespmem:s17+$0x10] =	vst v6;
	v6 =	vmul.f32 v11, v5;
	v11 =	vld [tilespmem:s17+$0x80]  }
0x202: {  	[tilespmem:s17+$0x20] =	vst v8;
	v7 =	vmul.f32 v7, v5;
	v8 =	vld [tilespmem:s17+$0x90]  }
0x203: {  	[tilespmem:s17+$0x30] =	vst v6;
	v6 =	vmul.f32 v12, v5;
	v12 =	vld [tilespmem:s17+$0xA0]  }
0x204: {  	[tilespmem:s17+$0x40] =	vst v7;
	v7 =	vmul.f32 v9, v5;
	v9 =	vld [tilespmem:s17+$0xB0]  }
0x205: {  	[tilespmem:s17+$0x50] =	vst v6;
	v5 =	vmul.f32 v10, v5;
	v6 =	vld [tilespmem:s17+$0xC0]  }
0x206: {  	[tilespmem:s17+$0x60] =	vst v7;
	v7 =	vmul.f32 v4, v11;
	v10 =	vld [tilespmem:s17+$0xD0]  }
0x207: {  	[tilespmem:s17+$0x70] =	vst v5;
	v5 =	vmul.f32 v8, v4;
	v8 =	vld [tilespmem:s17+$0xE0]  }
0x208: {  	[tilespmem:s17+$0x80] =	vst v7;
	v7 =	vmul.f32 v12, v4;
	v11 =	vld [tilespmem:s17+$0xF0]  }
0x209: {  	[tilespmem:s17+$0x90] =	vst v5;
	v5 =	vmul.f32 v9, v4;
	v9 =	vld [tilespmem:s17+$0x100]  }
0x20a: {  	[tilespmem:s17+$0xA0] =	vst v7;
	v6 =	vmul.f32 v6, v4;
	v7 =	vld [tilespmem:s17+$0x110]  }
0x20b: {  	[tilespmem:s17+$0xB0] =	vst v5;
	v5 =	vmul.f32 v10, v4;
	v10 =	vld [tilespmem:s17+$0x120]  }
0x20c: {  	[tilespmem:s17+$0xC0] =	vst v6;
	v6 =	vmul.f32 v8, v4;
	v8 =	vld [tilespmem:s17+$0x130]  }
0x20d: {  	[tilespmem:s17+$0xD0] =	vst v5;
	v4 =	vmul.f32 v11, v4;
	v5 =	vld [tilespmem:s17+$0x140]  }
0x20e: {  	[tilespmem:s17+$0xE0] =	vst v6;
	v6 =	vmul.f32 v3, v9;
	v9 =	vld [tilespmem:s17+$0x150]  }
0x20f: {  	[tilespmem:s17+$0xF0] =	vst v4;
	v4 =	vmul.f32 v7, v3;
	v7 =	vld [tilespmem:s17+$0x160]  }
0x210: {  	[tilespmem:s17+$0x100] =	vst v6;
	v6 =	vmul.f32 v10, v3;
	v10 =	vld [tilespmem:s17+$0x170]  }
0x211: {  	[tilespmem:s17+$0x110] =	vst v4;
	v4 =	vmul.f32 v8, v3;
	v8 =	vld [tilespmem:s17+$0x180]  }
0x212: {  	[tilespmem:s17+$0x120] =	vst v6;
	v5 =	vmul.f32 v5, v3;
	v6 =	vld [tilespmem:s17+$0x190]  }
0x213: {  	[tilespmem:s17+$0x130] =	vst v4;
	v9 =	vmul.f32 v9, v3;
	v11 =	vld [tilespmem:s17+$0x1A0]  }
.Ltmp2:
0x214: {  	[tilespmem:s17+$0x140] =	vst v5;
	v5 =	vmul.f32 v7, v3;
	v4 =	vld [tilespmem:s17+$0x1B0];
	(pc) =	sbr.rel @p1 .LBB2_7-.Ltmp2, $4  }
0x215: {  	[tilespmem:s17+$0x150] =	vst v9;
	v7 =	vmul.f32 v10, v3;
	v3 =	vld [tilespmem:s17+$0x1C0]  }
0x216: {  	[tilespmem:s17+$0x160] =	vst v5;
	v9 =	vmul.f32 v1, v8;
	v5 =	vld [tilespmem:s17+$0x1D0]  }
0x217: {  	[tilespmem:s17+$0x170] =	vst v7;
	v8 =	vmul.f32 v6, v1;
	v6 =	vld [tilespmem:s17+$0x1E0]  }
0x218: {  	s16 =	sadd.s32 $0x8, s16;
	v7 =	vld [tilespmem:s17+$0xFFFFFE00];
	[tilespmem:s17+$0x180] =	vst v9;
	v9 =	vmul.f32 v11, v1  }
0x219: {  	[tilespmem:s13+$0x190] =	vst v8;
	v4 =	vmul.f32 v4, v1  }
0x21a: {  	[tilespmem:s13+$0x1A0] =	vst v9;
	v3 =	vmul.f32 v3, v1  }
0x21b: {  	[tilespmem:s13+$0x1B0] =	vst v4;
	v63 =	vmul.f32 v5, v1  }
0x21c: {  	s11 =	sadd.s32 $0x1, s11;
	[tilespmem:s13+$0x1C0] =	vst v3;
	v1 =	vmul.f32 v6, v1  }
0x21d: {  	p1 =	sne.s32 s11, $0x28;
	v2 =	vmul.f32 v2, v7;
	[tilespmem:s13+$0x1D0] =	vst v63  }
.Ltmp3:
0x21e: {  	[tilespmem:s13+$0x1E0] =	vst v1;
	(pc) =	sbr.rel @p1 .LBB2_4-.Ltmp3, $4  }
0x21f: {  	[tilespmem:s13+$0xFFFFFE00] =	vst v2  }
0x220: {  	[spmem:s2] =	stream.indirect.scatter.add.f32 [tilespmem:s25], [sflag:$0x2], $0x80, s12, s29, $0xb8;
	[tilespmem:$0x1DA70] =	vst v63  }
0x221: {  	_ = 	snop  }
0x222: {  	[spmem:s3] =	stream.indirect.scatter.add.f32 [tilespmem:s30], [sflag:$0x2], $0x1, s12, s29, $0xb8;
	[tilespmem:$0x1DA70] =	vst v63  }
0x223: {  	_ =	swait.ge [sflag:s1], $0x4000  }
0x224: {  	[sflag:s1] =	ssyncset.done $0x0  }
0x225: {  	[sflag:s1] =	ssyncadd.s32 $0xFFFFC000  }
0x226: {  	_ =	swait.ge [sflag:s1], $0x80  }
0x227: {  	s11 =	stileid.u32;
	[sflag:s1] =	ssyncset.done $0x0  }
0x228: {  	s11 =	sshll.u32 s11, $0x6;
	[sflag:s1] =	ssyncadd.s32 $0xFFFFFF80  }
0x229: {  	s12 =	sshrl.u32 s9, $0x3;
	s11 =	sor.u32 $0x1C03, s11;
	[bflag:$0x0] =	sbarrier.arrive $0xFFFF  }
0x22a: {  	[hbm:s22], [sflag:s11] =	dma.local [spmem:s12], $0x2800  }
0x22b: {  	s7 =	sadd.s32 $0x1, s7;
	_ =	swait.ge [sflag:s26], $0x2800  }
0x22c: {  	p1 =	sne.s32 s7, s24;
	[sflag:s26] =	ssyncset.done $0x0  }
.Ltmp4:
0x22d: {  	s18 =	sshrl.u32 s14, $0x3;
	[sflag:s26] =	ssyncadd.s32 $0xFFFFD800;
	(pc) =	sbr.rel @p1 .LBB2_1-.Ltmp4, $4  }
0x22e: {  	[hbm:s23], [sflag:s11] =	dma.local [spmem:s18], $0x50  }
0x22f: {  	_ =	swait.ge [sflag:s26], $0x50  }
0x230: {  	[sflag:s26] =	ssyncset.done $0x0  }
0x231: {  	[sflag:s26] =	ssyncadd.s32 $0xFFFFFFB0  }
0x232: {  	_ =	sfence.sel $0x180000  }
0x233: {  	[bflag:$0x0] =	sbarrier.arrive $0xFFFF  }
0x234: {  	_ =	strace $0x90000047  }
0x235: {  	[bflag:$0x2] =	sbarrier.arrive $0xFFFF  }
0x236: {  	s0 =	rddreg [dreg:$0x6]  }
0x237: {  	s0 =	sadd.s32 @!p0 $0x100000, s0  }
0x238: {  	[sflag:s0] =	ssyncadd.tile.s32 @!p0 $0x1;
	_ =	shalt  }
.Lfunc_end2:
_tile_overlayer_lowered:
.L_overlay_start_2:
0x239: {  	(tag) =	ssettag $0x2  }
0x23a: {  	s0 =	rddreg [dreg:$0x0];
	s2 =	stileid.u32  }
0x23b: {  	s1 =	rddreg [dreg:$0x1];
	p0 =	sne.s32 s2, $0x0  }
0x23c: {  	s3 =	rddreg [dreg:$0x2];
	[bflag:$0x3] =	sbarrier.arrive $0xFFFF;
	s2 =	simm.s32 @!p0 $0x1C03  }
0x23d: {  	[timem:s3], [sflag:s2] =	dma.local @!p0 [hbm:s0], s1  }
0x23e: {  	s0 =	simm.s32 @!p0 $0x3  }
0x23f: {  	_ =	swait.ge @!p0 [sflag:s0], s1  }
0x240: {  	s1 =	ssub.s32 @!p0 $0x0, s1;
	[sflag:s0] =	ssyncset.done @!p0 $0x0  }
0x241: {  	[sflag:s0] =	ssyncadd.s32 @!p0 s1  }
0x242: {  	[bflag:$0x3] =	sbarrier.arrive $0xFFFF  }
0x243: {  	_ =	shalt  }

</sc_bundles>
